<compile_context>
chip_gen: v7x
topology: tpu7x:2x2x1
jax: 0.10.2.dev20260603
libtpu: 0.0.44.dev20260713+nightly
codegen_flags: <defaults>
</compile_context>

<pallas_src>
import jax
import jax.numpy as jnp
from jax import lax
from jax.experimental import pallas as pl
from jax.experimental.pallas import tpu as pltpu
from jax.experimental.pallas import tpu_sc as plsc

VOCAB = 6561
D = 1024
B = 1024 * 50
NC, NS = 2, 16
NW = NC * NS
BPW = B // NW
C = 16
NBUF = 5
NCHUNK = BPW // C
NGROUP = NCHUNK // NBUF


def _emb_body(tokens_hbm, table_hbm, out_hbm, idx_v, *scratch):
    wid = lax.axis_index("s") * NC + lax.axis_index("c")
    base = pl.multiple_of(wid * BPW, 8)
    pltpu.sync_copy(tokens_hbm.at[pl.ds(base, BPW)], idx_v)

    bufs = scratch[:NBUF]
    gsems = scratch[NBUF:2 * NBUF]
    osems = scratch[2 * NBUF:]

    def gather(c, buf, sem):
        off = pl.multiple_of(c * C, 8)
        pltpu.async_copy(table_hbm.at[idx_v.at[pl.ds(off, C)]], buf, sem)

    def scatter(c, buf, sem):
        off = pl.multiple_of(c * C, 8)
        pltpu.async_copy(buf, out_hbm.at[pl.ds(base + off, C)], sem)

    def gwait(buf, sem):
        pltpu.make_async_copy(out_hbm.at[pl.ds(base, C)], buf, sem).wait()

    def swait(buf, sem):
        pltpu.make_async_copy(buf, out_hbm.at[pl.ds(base, C)], sem).wait()

    for b in range(NBUF):
        gather(b, bufs[b], gsems[b])

    @pl.loop(0, NGROUP - 1)
    def _step(s):
        c0 = s * NBUF
        for b in range(NBUF):
            gwait(bufs[b], gsems[b])
            scatter(c0 + b, bufs[b], osems[b])
        for b in range(NBUF):
            swait(bufs[b], osems[b])
            gather(c0 + NBUF + b, bufs[b], gsems[b])

    cl = NCHUNK - NBUF
    for b in range(NBUF):
        gwait(bufs[b], gsems[b])
        scatter(cl + b, bufs[b], osems[b])
    for b in range(NBUF):
        swait(bufs[b], osems[b])


@jax.jit
def _emb(tokens_flat, table):
    run = pl.kernel(
        _emb_body,
        out_type=jax.ShapeDtypeStruct((B, D), jnp.float32),
        mesh=plsc.VectorSubcoreMesh(core_axis_name="c", subcore_axis_name="s"),
        scratch_types=[
            pltpu.VMEM((BPW,), jnp.int32),
        ] + [pltpu.VMEM((C, D), jnp.float32)] * NBUF
          + [pltpu.SemaphoreType.DMA] * (2 * NBUF),
    )
    return run(tokens_flat, table)


def kernel(tokens, table):
    nb, t = tokens.shape
    tok_flat = tokens.T.reshape(-1).astype(jnp.int32)
    out = _emb(tok_flat, table)
    return out.reshape(t, nb, D).transpose(1, 0, 2)

# --- scband reference (transcript-rebuilt; emitter-appended) ---
"""Pipeline reference for scband-speech-token-embedding-12352325943541 (READ-ONLY COPY).

The authoritative reference and input builder live on the scoring server;
editing this copy changes nothing except your own understanding.
"""

import jax, jax.numpy as jnp
import numpy as np

VOCAB_SIZE = 6561
EMBED_DIM = 1024

def setup_inputs(seed: int = 0) -> dict:
    key = jax.random.key(seed)
    k_tok, k_tab = jax.random.split(key)
    tokens = jax.random.randint(k_tok, (1024, 50), 0, VOCAB_SIZE, dtype=jnp.int64 if jax.config.jax_enable_x64 else jnp.int32)
    table = jax.random.normal(k_tab, (VOCAB_SIZE, EMBED_DIM), dtype=jnp.float32)
    return {"tokens": tokens, "table": table}

def reference(tokens, table):
    # nn.Embedding forward: gather rows of the table by token id -> (B, T, D)
    return jnp.take(table, tokens, axis=0)

if __name__ == "__main__":
    import jax
    _d = setup_inputs()
    print(jax.jit(kernel)(*tuple(_d.values())))

</pallas_src>

<mosaic_0001>
#map = affine_map<(d0, d1) -> (0)>
#map1 = affine_map<(d0, d1) -> (0, 0)>
module attributes {stable_mosaic.version = 14 : i64} {
  func.func @_emb_body(%arg0: i32, %arg1: i32, %arg2: memref<51200xi32, #tpu.memory_space<hbm>>, %arg3: memref<6561x1024xf32, #tpu.memory_space<hbm>>, %arg4: memref<51200x1024xf32, #tpu.memory_space<hbm>>, %arg5: memref<1600xi32, #tpu.memory_space<vmem>>, %arg6: memref<16x1024xf32, #tpu.memory_space<vmem>>, %arg7: memref<16x1024xf32, #tpu.memory_space<vmem>>, %arg8: memref<16x1024xf32, #tpu.memory_space<vmem>>, %arg9: memref<16x1024xf32, #tpu.memory_space<vmem>>, %arg10: memref<16x1024xf32, #tpu.memory_space<vmem>>, %arg11: memref<!tpu.dma_semaphore, #tpu.memory_space<semaphore_mem>>, %arg12: memref<!tpu.dma_semaphore, #tpu.memory_space<semaphore_mem>>, %arg13: memref<!tpu.dma_semaphore, #tpu.memory_space<semaphore_mem>>, %arg14: memref<!tpu.dma_semaphore, #tpu.memory_space<semaphore_mem>>, %arg15: memref<!tpu.dma_semaphore, #tpu.memory_space<semaphore_mem>>, %arg16: memref<!tpu.dma_semaphore, #tpu.memory_space<semaphore_mem>>, %arg17: memref<!tpu.dma_semaphore, #tpu.memory_space<semaphore_mem>>, %arg18: memref<!tpu.dma_semaphore, #tpu.memory_space<semaphore_mem>>, %arg19: memref<!tpu.dma_semaphore, #tpu.memory_space<semaphore_mem>>, %arg20: memref<!tpu.dma_semaphore, #tpu.memory_space<semaphore_mem>>) attributes {dimension_semantics = [#tpu.dimension_semantics<core_parallel>, #tpu.dimension_semantics<subcore_parallel>], iteration_bounds = array<i64: 2, 16>, scalar_prefetch = 0 : i64, scratch_operands = 16 : i64, tpu.core_type = #tpu.core_type<sc_vector_subcore>, window_params = [{transform_indices = #map}, {transform_indices = #map1}, {transform_indices = #map1}]} {
    %mul3A = arith.constant 2 : i32
    %mul3A_0 = arith.muli %arg1, %mul3A : i32
    %add3A = arith.addi %mul3A_0, %arg0 : i32
    %mul3A_1 = arith.constant 1600 : i32
    %mul3A_2 = arith.muli %add3A, %mul3A_1 : i32
    %multiple_of3A = tpu.assume_multiple %mul3A_2, 8 : i32
    "tpu.region"() ({
      %run_scoped3A = tpu.sem_alloc : memref<!tpu.dma_semaphore, #tpu.memory_space<semaphore_mem>>
      %dma_start3A_110 = tpu.memref_slice %arg2[%multiple_of3A] : memref<51200xi32, #tpu.memory_space<hbm>> -> memref<1600xi32, #tpu.memory_space<hbm>>
      %dma_start3A_111 = tpu.memref_slice %arg2[%multiple_of3A] : memref<51200xi32, #tpu.memory_space<hbm>> -> memref<1600xi32, #tpu.memory_space<hbm>>
      tpu.enqueue_dma source(%dma_start3A_111 : memref<1600xi32, #tpu.memory_space<hbm>>) target(%arg5 : memref<1600xi32, #tpu.memory_space<vmem>>) target_semaphore(%run_scoped3A : memref<!tpu.dma_semaphore, #tpu.memory_space<semaphore_mem>>)
      %dma_wait3A_112 = tpu.memref_slice %arg2[%multiple_of3A] : memref<51200xi32, #tpu.memory_space<hbm>> -> memref<1600xi32, #tpu.memory_space<hbm>>
      %dma_wait3A_113 = tpu.memref_slice %arg2[%multiple_of3A] : memref<51200xi32, #tpu.memory_space<hbm>> -> memref<1600xi32, #tpu.memory_space<hbm>>
      tpu.wait_dma2 semaphore(%run_scoped3A : memref<!tpu.dma_semaphore, #tpu.memory_space<semaphore_mem>>) src(%dma_wait3A_113 : memref<1600xi32, #tpu.memory_space<hbm>>) dst(%arg5 : memref<1600xi32, #tpu.memory_space<vmem>>)
      tpu.yield
    }) : () -> ()
    %multiple_of3A_3 = arith.constant 0 : i32
    %multiple_of3A_4 = tpu.assume_multiple %multiple_of3A_3, 8 : i32
    %dma_start3A = tpu.memref_slice %arg5[%multiple_of3A_4] : memref<1600xi32, #tpu.memory_space<vmem>> -> memref<16xi32, #tpu.memory_space<vmem>>
    %dma_start3A_5 = arith.constant 0 : i32
    %dma_start3A_6 = arith.constant 0 : i32
    %dma_start3A_7 = tpu.memref_slice %arg3[%dma_start3A_5, %dma_start3A_6] : memref<6561x1024xf32, #tpu.memory_space<hbm>> -> memref<6561x1024xf32, #tpu.memory_space<hbm>>
    tpu.enqueue_indirect_dma source(%dma_start3A_7 : memref<6561x1024xf32, #tpu.memory_space<hbm>>) target(%arg6 : memref<16x1024xf32, #tpu.memory_space<vmem>>) offsets(%dma_start3A : memref<16xi32, #tpu.memory_space<vmem>>) semaphore(%arg11 : memref<!tpu.dma_semaphore, #tpu.memory_space<semaphore_mem>>)
    %multiple_of3A_8 = arith.constant 16 : i32
    %multiple_of3A_9 = tpu.assume_multiple %multiple_of3A_8, 8 : i32
    %dma_start3A_10 = tpu.memref_slice %arg5[%multiple_of3A_9] : memref<1600xi32, #tpu.memory_space<vmem>> -> memref<16xi32, #tpu.memory_space<vmem>>
    %dma_start3A_11 = arith.constant 0 : i32
    %dma_start3A_12 = arith.constant 0 : i32
    %dma_start3A_13 = tpu.memref_slice %arg3[%dma_start3A_11, %dma_start3A_12] : memref<6561x1024xf32, #tpu.memory_space<hbm>> -> memref<6561x1024xf32, #tpu.memory_space<hbm>>
    tpu.enqueue_indirect_dma source(%dma_start3A_13 : memref<6561x1024xf32, #tpu.memory_space<hbm>>) target(%arg7 : memref<16x1024xf32, #tpu.memory_space<vmem>>) offsets(%dma_start3A_10 : memref<16xi32, #tpu.memory_space<vmem>>) semaphore(%arg12 : memref<!tpu.dma_semaphore, #tpu.memory_space<semaphore_mem>>)
    %multiple_of3A_14 = arith.constant 32 : i32
    %multiple_of3A_15 = tpu.assume_multiple %multiple_of3A_14, 8 : i32
    %dma_start3A_16 = tpu.memref_slice %arg5[%multiple_of3A_15] : memref<1600xi32, #tpu.memory_space<vmem>> -> memref<16xi32, #tpu.memory_space<vmem>>
    %dma_start3A_17 = arith.constant 0 : i32
    %dma_start3A_18 = arith.constant 0 : i32
    %dma_start3A_19 = tpu.memref_slice %arg3[%dma_start3A_17, %dma_start3A_18] : memref<6561x1024xf32, #tpu.memory_space<hbm>> -> memref<6561x1024xf32, #tpu.memory_space<hbm>>
    tpu.enqueue_indirect_dma source(%dma_start3A_19 : memref<6561x1024xf32, #tpu.memory_space<hbm>>) target(%arg8 : memref<16x1024xf32, #tpu.memory_space<vmem>>) offsets(%dma_start3A_16 : memref<16xi32, #tpu.memory_space<vmem>>) semaphore(%arg13 : memref<!tpu.dma_semaphore, #tpu.memory_space<semaphore_mem>>)
    %multiple_of3A_20 = arith.constant 48 : i32
    %multiple_of3A_21 = tpu.assume_multiple %multiple_of3A_20, 8 : i32
    %dma_start3A_22 = tpu.memref_slice %arg5[%multiple_of3A_21] : memref<1600xi32, #tpu.memory_space<vmem>> -> memref<16xi32, #tpu.memory_space<vmem>>
    %dma_start3A_23 = arith.constant 0 : i32
    %dma_start3A_24 = arith.constant 0 : i32
    %dma_start3A_25 = tpu.memref_slice %arg3[%dma_start3A_23, %dma_start3A_24] : memref<6561x1024xf32, #tpu.memory_space<hbm>> -> memref<6561x1024xf32, #tpu.memory_space<hbm>>
    tpu.enqueue_indirect_dma source(%dma_start3A_25 : memref<6561x1024xf32, #tpu.memory_space<hbm>>) target(%arg9 : memref<16x1024xf32, #tpu.memory_space<vmem>>) offsets(%dma_start3A_22 : memref<16xi32, #tpu.memory_space<vmem>>) semaphore(%arg14 : memref<!tpu.dma_semaphore, #tpu.memory_space<semaphore_mem>>)
    %multiple_of3A_26 = arith.constant 64 : i32
    %multiple_of3A_27 = tpu.assume_multiple %multiple_of3A_26, 8 : i32
    %dma_start3A_28 = tpu.memref_slice %arg5[%multiple_of3A_27] : memref<1600xi32, #tpu.memory_space<vmem>> -> memref<16xi32, #tpu.memory_space<vmem>>
    %dma_start3A_29 = arith.constant 0 : i32
    %dma_start3A_30 = arith.constant 0 : i32
    %dma_start3A_31 = tpu.memref_slice %arg3[%dma_start3A_29, %dma_start3A_30] : memref<6561x1024xf32, #tpu.memory_space<hbm>> -> memref<6561x1024xf32, #tpu.memory_space<hbm>>
    tpu.enqueue_indirect_dma source(%dma_start3A_31 : memref<6561x1024xf32, #tpu.memory_space<hbm>>) target(%arg10 : memref<16x1024xf32, #tpu.memory_space<vmem>>) offsets(%dma_start3A_28 : memref<16xi32, #tpu.memory_space<vmem>>) semaphore(%arg15 : memref<!tpu.dma_semaphore, #tpu.memory_space<semaphore_mem>>)
    %scan3A = arith.constant 0 : i32
    %scan3A_32 = arith.constant 19 : i32
    %scan3A_33 = arith.addi %scan3A, %scan3A_32 : i32
    %scan3A_34 = arith.constant 1 : i32
    scf.for %scan3A_110 = %scan3A to %scan3A_33 step %scan3A_34  : i32 {
      %mul3A_111 = arith.constant 1 : i32
      %mul3A_112 = arith.muli %scan3A_110, %mul3A_111 : i32
      %add3A_113 = arith.constant 0 : i32
      %add3A_114 = arith.addi %add3A_113, %mul3A_112 : i32
      %mul3A_115 = arith.constant 5 : i32
      %mul3A_116 = arith.muli %add3A_114, %mul3A_115 : i32
      %dma_wait3A_117 = arith.constant 0 : i32
      %dma_wait3A_118 = tpu.memref_slice %arg4[%multiple_of3A, %dma_wait3A_117] : memref<51200x1024xf32, #tpu.memory_space<hbm>> -> memref<16x1024xf32, #tpu.memory_space<hbm>>
      %dma_wait3A_119 = arith.constant 0 : i32
      %dma_wait3A_120 = tpu.memref_slice %arg4[%multiple_of3A, %dma_wait3A_119] : memref<51200x1024xf32, #tpu.memory_space<hbm>> -> memref<16x1024xf32, #tpu.memory_space<hbm>>
      tpu.wait_dma2 semaphore(%arg11 : memref<!tpu.dma_semaphore, #tpu.memory_space<semaphore_mem>>) src(%dma_wait3A_120 : memref<16x1024xf32, #tpu.memory_space<hbm>>) dst(%arg6 : memref<16x1024xf32, #tpu.memory_space<vmem>>)
      %add3A_121 = arith.constant 0 : i32
      %add3A_122 = arith.addi %mul3A_116, %add3A_121 : i32
      %mul3A_123 = arith.constant 16 : i32
      %mul3A_124 = arith.muli %add3A_122, %mul3A_123 : i32
      %multiple_of3A_125 = tpu.assume_multiple %mul3A_124, 8 : i32
      %add3A_126 = arith.addi %multiple_of3A, %multiple_of3A_125 : i32
      %dma_start3A_127 = arith.constant 0 : i32
      %dma_start3A_128 = tpu.memref_slice %arg4[%add3A_126, %dma_start3A_127] : memref<51200x1024xf32, #tpu.memory_space<hbm>> -> memref<16x1024xf32, #tpu.memory_space<hbm>>
      %dma_start3A_129 = arith.constant 0 : i32
      %dma_start3A_130 = tpu.memref_slice %arg4[%add3A_126, %dma_start3A_129] : memref<51200x1024xf32, #tpu.memory_space<hbm>> -> memref<16x1024xf32, #tpu.memory_space<hbm>>
      tpu.enqueue_dma source(%arg6 : memref<16x1024xf32, #tpu.memory_space<vmem>>) target(%dma_start3A_130 : memref<16x1024xf32, #tpu.memory_space<hbm>>) target_semaphore(%arg16 : memref<!tpu.dma_semaphore, #tpu.memory_space<semaphore_mem>>)
      %dma_wait3A_131 = arith.constant 0 : i32
      %dma_wait3A_132 = tpu.memref_slice %arg4[%multiple_of3A, %dma_wait3A_131] : memref<51200x1024xf32, #tpu.memory_space<hbm>> -> memref<16x1024xf32, #tpu.memory_space<hbm>>
      %dma_wait3A_133 = arith.constant 0 : i32
      %dma_wait3A_134 = tpu.memref_slice %arg4[%multiple_of3A, %dma_wait3A_133] : memref<51200x1024xf32, #tpu.memory_space<hbm>> -> memref<16x1024xf32, #tpu.memory_space<hbm>>
      tpu.wait_dma2 semaphore(%arg12 : memref<!tpu.dma_semaphore, #tpu.memory_space<semaphore_mem>>) src(%dma_wait3A_134 : memref<16x1024xf32, #tpu.memory_space<hbm>>) dst(%arg7 : memref<16x1024xf32, #tpu.memory_space<vmem>>)
      %add3A_135 = arith.constant 1 : i32
      %add3A_136 = arith.addi %mul3A_116, %add3A_135 : i32
      %mul3A_137 = arith.constant 16 : i32
      %mul3A_138 = arith.muli %add3A_136, %mul3A_137 : i32
      %multiple_of3A_139 = tpu.assume_multiple %mul3A_138, 8 : i32
      %add3A_140 = arith.addi %multiple_of3A, %multiple_of3A_139 : i32
      %dma_start3A_141 = arith.constant 0 : i32
      %dma_start3A_142 = tpu.memref_slice %arg4[%add3A_140, %dma_start3A_141] : memref<51200x1024xf32, #tpu.memory_space<hbm>> -> memref<16x1024xf32, #tpu.memory_space<hbm>>
      %dma_start3A_143 = arith.constant 0 : i32
      %dma_start3A_144 = tpu.memref_slice %arg4[%add3A_140, %dma_start3A_143] : memref<51200x1024xf32, #tpu.memory_space<hbm>> -> memref<16x1024xf32, #tpu.memory_space<hbm>>
      tpu.enqueue_dma source(%arg7 : memref<16x1024xf32, #tpu.memory_space<vmem>>) target(%dma_start3A_144 : memref<16x1024xf32, #tpu.memory_space<hbm>>) target_semaphore(%arg17 : memref<!tpu.dma_semaphore, #tpu.memory_space<semaphore_mem>>)
      %dma_wait3A_145 = arith.constant 0 : i32
      %dma_wait3A_146 = tpu.memref_slice %arg4[%multiple_of3A, %dma_wait3A_145] : memref<51200x1024xf32, #tpu.memory_space<hbm>> -> memref<16x1024xf32, #tpu.memory_space<hbm>>
      %dma_wait3A_147 = arith.constant 0 : i32
      %dma_wait3A_148 = tpu.memref_slice %arg4[%multiple_of3A, %dma_wait3A_147] : memref<51200x1024xf32, #tpu.memory_space<hbm>> -> memref<16x1024xf32, #tpu.memory_space<hbm>>
      tpu.wait_dma2 semaphore(%arg13 : memref<!tpu.dma_semaphore, #tpu.memory_space<semaphore_mem>>) src(%dma_wait3A_148 : memref<16x1024xf32, #tpu.memory_space<hbm>>) dst(%arg8 : memref<16x1024xf32, #tpu.memory_space<vmem>>)
      %add3A_149 = arith.constant 2 : i32
      %add3A_150 = arith.addi %mul3A_116, %add3A_149 : i32
      %mul3A_151 = arith.constant 16 : i32
      %mul3A_152 = arith.muli %add3A_150, %mul3A_151 : i32
      %multiple_of3A_153 = tpu.assume_multiple %mul3A_152, 8 : i32
      %add3A_154 = arith.addi %multiple_of3A, %multiple_of3A_153 : i32
      %dma_start3A_155 = arith.constant 0 : i32
      %dma_start3A_156 = tpu.memref_slice %arg4[%add3A_154, %dma_start3A_155] : memref<51200x1024xf32, #tpu.memory_space<hbm>> -> memref<16x1024xf32, #tpu.memory_space<hbm>>
      %dma_start3A_157 = arith.constant 0 : i32
      %dma_start3A_158 = tpu.memref_slice %arg4[%add3A_154, %dma_start3A_157] : memref<51200x1024xf32, #tpu.memory_space<hbm>> -> memref<16x1024xf32, #tpu.memory_space<hbm>>
      tpu.enqueue_dma source(%arg8 : memref<16x1024xf32, #tpu.memory_space<vmem>>) target(%dma_start3A_158 : memref<16x1024xf32, #tpu.memory_space<hbm>>) target_semaphore(%arg18 : memref<!tpu.dma_semaphore, #tpu.memory_space<semaphore_mem>>)
      %dma_wait3A_159 = arith.constant 0 : i32
      %dma_wait3A_160 = tpu.memref_slice %arg4[%multiple_of3A, %dma_wait3A_159] : memref<51200x1024xf32, #tpu.memory_space<hbm>> -> memref<16x1024xf32, #tpu.memory_space<hbm>>
      %dma_wait3A_161 = arith.constant 0 : i32
      %dma_wait3A_162 = tpu.memref_slice %arg4[%multiple_of3A, %dma_wait3A_161] : memref<51200x1024xf32, #tpu.memory_space<hbm>> -> memref<16x1024xf32, #tpu.memory_space<hbm>>
      tpu.wait_dma2 semaphore(%arg14 : memref<!tpu.dma_semaphore, #tpu.memory_space<semaphore_mem>>) src(%dma_wait3A_162 : memref<16x1024xf32, #tpu.memory_space<hbm>>) dst(%arg9 : memref<16x1024xf32, #tpu.memory_space<vmem>>)
      %add3A_163 = arith.constant 3 : i32
      %add3A_164 = arith.addi %mul3A_116, %add3A_163 : i32
      %mul3A_165 = arith.constant 16 : i32
      %mul3A_166 = arith.muli %add3A_164, %mul3A_165 : i32
      %multiple_of3A_167 = tpu.assume_multiple %mul3A_166, 8 : i32
      %add3A_168 = arith.addi %multiple_of3A, %multiple_of3A_167 : i32
      %dma_start3A_169 = arith.constant 0 : i32
      %dma_start3A_170 = tpu.memref_slice %arg4[%add3A_168, %dma_start3A_169] : memref<51200x1024xf32, #tpu.memory_space<hbm>> -> memref<16x1024xf32, #tpu.memory_space<hbm>>
      %dma_start3A_171 = arith.constant 0 : i32
      %dma_start3A_172 = tpu.memref_slice %arg4[%add3A_168, %dma_start3A_171] : memref<51200x1024xf32, #tpu.memory_space<hbm>> -> memref<16x1024xf32, #tpu.memory_space<hbm>>
      tpu.enqueue_dma source(%arg9 : memref<16x1024xf32, #tpu.memory_space<vmem>>) target(%dma_start3A_172 : memref<16x1024xf32, #tpu.memory_space<hbm>>) target_semaphore(%arg19 : memref<!tpu.dma_semaphore, #tpu.memory_space<semaphore_mem>>)
      %dma_wait3A_173 = arith.constant 0 : i32
      %dma_wait3A_174 = tpu.memref_slice %arg4[%multiple_of3A, %dma_wait3A_173] : memref<51200x1024xf32, #tpu.memory_space<hbm>> -> memref<16x1024xf32, #tpu.memory_space<hbm>>
      %dma_wait3A_175 = arith.constant 0 : i32
      %dma_wait3A_176 = tpu.memref_slice %arg4[%multiple_of3A, %dma_wait3A_175] : memref<51200x1024xf32, #tpu.memory_space<hbm>> -> memref<16x1024xf32, #tpu.memory_space<hbm>>
      tpu.wait_dma2 semaphore(%arg15 : memref<!tpu.dma_semaphore, #tpu.memory_space<semaphore_mem>>) src(%dma_wait3A_176 : memref<16x1024xf32, #tpu.memory_space<hbm>>) dst(%arg10 : memref<16x1024xf32, #tpu.memory_space<vmem>>)
      %add3A_177 = arith.constant 4 : i32
      %add3A_178 = arith.addi %mul3A_116, %add3A_177 : i32
      %mul3A_179 = arith.constant 16 : i32
      %mul3A_180 = arith.muli %add3A_178, %mul3A_179 : i32
      %multiple_of3A_181 = tpu.assume_multiple %mul3A_180, 8 : i32
      %add3A_182 = arith.addi %multiple_of3A, %multiple_of3A_181 : i32
      %dma_start3A_183 = arith.constant 0 : i32
      %dma_start3A_184 = tpu.memref_slice %arg4[%add3A_182, %dma_start3A_183] : memref<51200x1024xf32, #tpu.memory_space<hbm>> -> memref<16x1024xf32, #tpu.memory_space<hbm>>
      %dma_start3A_185 = arith.constant 0 : i32
      %dma_start3A_186 = tpu.memref_slice %arg4[%add3A_182, %dma_start3A_185] : memref<51200x1024xf32, #tpu.memory_space<hbm>> -> memref<16x1024xf32, #tpu.memory_space<hbm>>
      tpu.enqueue_dma source(%arg10 : memref<16x1024xf32, #tpu.memory_space<vmem>>) target(%dma_start3A_186 : memref<16x1024xf32, #tpu.memory_space<hbm>>) target_semaphore(%arg20 : memref<!tpu.dma_semaphore, #tpu.memory_space<semaphore_mem>>)
      %dma_wait3A_187 = arith.constant 0 : i32
      %dma_wait3A_188 = tpu.memref_slice %arg4[%multiple_of3A, %dma_wait3A_187] : memref<51200x1024xf32, #tpu.memory_space<hbm>> -> memref<16x1024xf32, #tpu.memory_space<hbm>>
      %dma_wait3A_189 = arith.constant 0 : i32
      %dma_wait3A_190 = tpu.memref_slice %arg4[%multiple_of3A, %dma_wait3A_189] : memref<51200x1024xf32, #tpu.memory_space<hbm>> -> memref<16x1024xf32, #tpu.memory_space<hbm>>
      tpu.wait_dma2 semaphore(%arg16 : memref<!tpu.dma_semaphore, #tpu.memory_space<semaphore_mem>>) src(%arg6 : memref<16x1024xf32, #tpu.memory_space<vmem>>) dst(%dma_wait3A_190 : memref<16x1024xf32, #tpu.memory_space<hbm>>)
      %add3A_191 = arith.constant 5 : i32
      %add3A_192 = arith.addi %mul3A_116, %add3A_191 : i32
      %add3A_193 = arith.constant 0 : i32
      %add3A_194 = arith.addi %add3A_192, %add3A_193 : i32
      %mul3A_195 = arith.constant 16 : i32
      %mul3A_196 = arith.muli %add3A_194, %mul3A_195 : i32
      %multiple_of3A_197 = tpu.assume_multiple %mul3A_196, 8 : i32
      %dma_start3A_198 = tpu.memref_slice %arg5[%multiple_of3A_197] : memref<1600xi32, #tpu.memory_space<vmem>> -> memref<16xi32, #tpu.memory_space<vmem>>
      %dma_start3A_199 = arith.constant 0 : i32
      %dma_start3A_200 = arith.constant 0 : i32
      %dma_start3A_201 = tpu.memref_slice %arg3[%dma_start3A_199, %dma_start3A_200] : memref<6561x1024xf32, #tpu.memory_space<hbm>> -> memref<6561x1024xf32, #tpu.memory_space<hbm>>
      tpu.enqueue_indirect_dma source(%dma_start3A_201 : memref<6561x1024xf32, #tpu.memory_space<hbm>>) target(%arg6 : memref<16x1024xf32, #tpu.memory_space<vmem>>) offsets(%dma_start3A_198 : memref<16xi32, #tpu.memory_space<vmem>>) semaphore(%arg11 : memref<!tpu.dma_semaphore, #tpu.memory_space<semaphore_mem>>)
      %dma_wait3A_202 = arith.constant 0 : i32
      %dma_wait3A_203 = tpu.memref_slice %arg4[%multiple_of3A, %dma_wait3A_202] : memref<51200x1024xf32, #tpu.memory_space<hbm>> -> memref<16x1024xf32, #tpu.memory_space<hbm>>
      %dma_wait3A_204 = arith.constant 0 : i32
      %dma_wait3A_205 = tpu.memref_slice %arg4[%multiple_of3A, %dma_wait3A_204] : memref<51200x1024xf32, #tpu.memory_space<hbm>> -> memref<16x1024xf32, #tpu.memory_space<hbm>>
      tpu.wait_dma2 semaphore(%arg17 : memref<!tpu.dma_semaphore, #tpu.memory_space<semaphore_mem>>) src(%arg7 : memref<16x1024xf32, #tpu.memory_space<vmem>>) dst(%dma_wait3A_205 : memref<16x1024xf32, #tpu.memory_space<hbm>>)
      %add3A_206 = arith.constant 5 : i32
      %add3A_207 = arith.addi %mul3A_116, %add3A_206 : i32
      %add3A_208 = arith.constant 1 : i32
      %add3A_209 = arith.addi %add3A_207, %add3A_208 : i32
      %mul3A_210 = arith.constant 16 : i32
      %mul3A_211 = arith.muli %add3A_209, %mul3A_210 : i32
      %multiple_of3A_212 = tpu.assume_multiple %mul3A_211, 8 : i32
      %dma_start3A_213 = tpu.memref_slice %arg5[%multiple_of3A_212] : memref<1600xi32, #tpu.memory_space<vmem>> -> memref<16xi32, #tpu.memory_space<vmem>>
      %dma_start3A_214 = arith.constant 0 : i32
      %dma_start3A_215 = arith.constant 0 : i32
      %dma_start3A_216 = tpu.memref_slice %arg3[%dma_start3A_214, %dma_start3A_215] : memref<6561x1024xf32, #tpu.memory_space<hbm>> -> memref<6561x1024xf32, #tpu.memory_space<hbm>>
      tpu.enqueue_indirect_dma source(%dma_start3A_216 : memref<6561x1024xf32, #tpu.memory_space<hbm>>) target(%arg7 : memref<16x1024xf32, #tpu.memory_space<vmem>>) offsets(%dma_start3A_213 : memref<16xi32, #tpu.memory_space<vmem>>) semaphore(%arg12 : memref<!tpu.dma_semaphore, #tpu.memory_space<semaphore_mem>>)
      %dma_wait3A_217 = arith.constant 0 : i32
      %dma_wait3A_218 = tpu.memref_slice %arg4[%multiple_of3A, %dma_wait3A_217] : memref<51200x1024xf32, #tpu.memory_space<hbm>> -> memref<16x1024xf32, #tpu.memory_space<hbm>>
      %dma_wait3A_219 = arith.constant 0 : i32
      %dma_wait3A_220 = tpu.memref_slice %arg4[%multiple_of3A, %dma_wait3A_219] : memref<51200x1024xf32, #tpu.memory_space<hbm>> -> memref<16x1024xf32, #tpu.memory_space<hbm>>
      tpu.wait_dma2 semaphore(%arg18 : memref<!tpu.dma_semaphore, #tpu.memory_space<semaphore_mem>>) src(%arg8 : memref<16x1024xf32, #tpu.memory_space<vmem>>) dst(%dma_wait3A_220 : memref<16x1024xf32, #tpu.memory_space<hbm>>)
      %add3A_221 = arith.constant 5 : i32
      %add3A_222 = arith.addi %mul3A_116, %add3A_221 : i32
      %add3A_223 = arith.constant 2 : i32
      %add3A_224 = arith.addi %add3A_222, %add3A_223 : i32
      %mul3A_225 = arith.constant 16 : i32
      %mul3A_226 = arith.muli %add3A_224, %mul3A_225 : i32
      %multiple_of3A_227 = tpu.assume_multiple %mul3A_226, 8 : i32
      %dma_start3A_228 = tpu.memref_slice %arg5[%multiple_of3A_227] : memref<1600xi32, #tpu.memory_space<vmem>> -> memref<16xi32, #tpu.memory_space<vmem>>
      %dma_start3A_229 = arith.constant 0 : i32
      %dma_start3A_230 = arith.constant 0 : i32
      %dma_start3A_231 = tpu.memref_slice %arg3[%dma_start3A_229, %dma_start3A_230] : memref<6561x1024xf32, #tpu.memory_space<hbm>> -> memref<6561x1024xf32, #tpu.memory_space<hbm>>
      tpu.enqueue_indirect_dma source(%dma_start3A_231 : memref<6561x1024xf32, #tpu.memory_space<hbm>>) target(%arg8 : memref<16x1024xf32, #tpu.memory_space<vmem>>) offsets(%dma_start3A_228 : memref<16xi32, #tpu.memory_space<vmem>>) semaphore(%arg13 : memref<!tpu.dma_semaphore, #tpu.memory_space<semaphore_mem>>)
      %dma_wait3A_232 = arith.constant 0 : i32
      %dma_wait3A_233 = tpu.memref_slice %arg4[%multiple_of3A, %dma_wait3A_232] : memref<51200x1024xf32, #tpu.memory_space<hbm>> -> memref<16x1024xf32, #tpu.memory_space<hbm>>
      %dma_wait3A_234 = arith.constant 0 : i32
      %dma_wait3A_235 = tpu.memref_slice %arg4[%multiple_of3A, %dma_wait3A_234] : memref<51200x1024xf32, #tpu.memory_space<hbm>> -> memref<16x1024xf32, #tpu.memory_space<hbm>>
      tpu.wait_dma2 semaphore(%arg19 : memref<!tpu.dma_semaphore, #tpu.memory_space<semaphore_mem>>) src(%arg9 : memref<16x1024xf32, #tpu.memory_space<vmem>>) dst(%dma_wait3A_235 : memref<16x1024xf32, #tpu.memory_space<hbm>>)
      %add3A_236 = arith.constant 5 : i32
      %add3A_237 = arith.addi %mul3A_116, %add3A_236 : i32
      %add3A_238 = arith.constant 3 : i32
      %add3A_239 = arith.addi %add3A_237, %add3A_238 : i32
      %mul3A_240 = arith.constant 16 : i32
      %mul3A_241 = arith.muli %add3A_239, %mul3A_240 : i32
      %multiple_of3A_242 = tpu.assume_multiple %mul3A_241, 8 : i32
      %dma_start3A_243 = tpu.memref_slice %arg5[%multiple_of3A_242] : memref<1600xi32, #tpu.memory_space<vmem>> -> memref<16xi32, #tpu.memory_space<vmem>>
      %dma_start3A_244 = arith.constant 0 : i32
      %dma_start3A_245 = arith.constant 0 : i32
      %dma_start3A_246 = tpu.memref_slice %arg3[%dma_start3A_244, %dma_start3A_245] : memref<6561x1024xf32, #tpu.memory_space<hbm>> -> memref<6561x1024xf32, #tpu.memory_space<hbm>>
      tpu.enqueue_indirect_dma source(%dma_start3A_246 : memref<6561x1024xf32, #tpu.memory_space<hbm>>) target(%arg9 : memref<16x1024xf32, #tpu.memory_space<vmem>>) offsets(%dma_start3A_243 : memref<16xi32, #tpu.memory_space<vmem>>) semaphore(%arg14 : memref<!tpu.dma_semaphore, #tpu.memory_space<semaphore_mem>>)
      %dma_wait3A_247 = arith.constant 0 : i32
      %dma_wait3A_248 = tpu.memref_slice %arg4[%multiple_of3A, %dma_wait3A_247] : memref<51200x1024xf32, #tpu.memory_space<hbm>> -> memref<16x1024xf32, #tpu.memory_space<hbm>>
      %dma_wait3A_249 = arith.constant 0 : i32
      %dma_wait3A_250 = tpu.memref_slice %arg4[%multiple_of3A, %dma_wait3A_249] : memref<51200x1024xf32, #tpu.memory_space<hbm>> -> memref<16x1024xf32, #tpu.memory_space<hbm>>
      tpu.wait_dma2 semaphore(%arg20 : memref<!tpu.dma_semaphore, #tpu.memory_space<semaphore_mem>>) src(%arg10 : memref<16x1024xf32, #tpu.memory_space<vmem>>) dst(%dma_wait3A_250 : memref<16x1024xf32, #tpu.memory_space<hbm>>)
      %add3A_251 = arith.constant 5 : i32
      %add3A_252 = arith.addi %mul3A_116, %add3A_251 : i32
      %add3A_253 = arith.constant 4 : i32
      %add3A_254 = arith.addi %add3A_252, %add3A_253 : i32
      %mul3A_255 = arith.constant 16 : i32
      %mul3A_256 = arith.muli %add3A_254, %mul3A_255 : i32
      %multiple_of3A_257 = tpu.assume_multiple %mul3A_256, 8 : i32
      %dma_start3A_258 = tpu.memref_slice %arg5[%multiple_of3A_257] : memref<1600xi32, #tpu.memory_space<vmem>> -> memref<16xi32, #tpu.memory_space<vmem>>
      %dma_start3A_259 = arith.constant 0 : i32
      %dma_start3A_260 = arith.constant 0 : i32
      %dma_start3A_261 = tpu.memref_slice %arg3[%dma_start3A_259, %dma_start3A_260] : memref<6561x1024xf32, #tpu.memory_space<hbm>> -> memref<6561x1024xf32, #tpu.memory_space<hbm>>
      tpu.enqueue_indirect_dma source(%dma_start3A_261 : memref<6561x1024xf32, #tpu.memory_space<hbm>>) target(%arg10 : memref<16x1024xf32, #tpu.memory_space<vmem>>) offsets(%dma_start3A_258 : memref<16xi32, #tpu.memory_space<vmem>>) semaphore(%arg15 : memref<!tpu.dma_semaphore, #tpu.memory_space<semaphore_mem>>)
    }
    %scan3A_35 = arith.constant 19 : i32
    %dma_wait3A = arith.constant 0 : i32
    %dma_wait3A_36 = tpu.memref_slice %arg4[%multiple_of3A, %dma_wait3A] : memref<51200x1024xf32, #tpu.memory_space<hbm>> -> memref<16x1024xf32, #tpu.memory_space<hbm>>
    %dma_wait3A_37 = arith.constant 0 : i32
    %dma_wait3A_38 = tpu.memref_slice %arg4[%multiple_of3A, %dma_wait3A_37] : memref<51200x1024xf32, #tpu.memory_space<hbm>> -> memref<16x1024xf32, #tpu.memory_space<hbm>>
    tpu.wait_dma2 semaphore(%arg11 : memref<!tpu.dma_semaphore, #tpu.memory_space<semaphore_mem>>) src(%dma_wait3A_38 : memref<16x1024xf32, #tpu.memory_space<hbm>>) dst(%arg6 : memref<16x1024xf32, #tpu.memory_space<vmem>>)
    %multiple_of3A_39 = arith.constant 1520 : i32
    %multiple_of3A_40 = tpu.assume_multiple %multiple_of3A_39, 8 : i32
    %add3A_41 = arith.addi %multiple_of3A, %multiple_of3A_40 : i32
    %dma_start3A_42 = arith.constant 0 : i32
    %dma_start3A_43 = tpu.memref_slice %arg4[%add3A_41, %dma_start3A_42] : memref<51200x1024xf32, #tpu.memory_space<hbm>> -> memref<16x1024xf32, #tpu.memory_space<hbm>>
    %dma_start3A_44 = arith.constant 0 : i32
    %dma_start3A_45 = tpu.memref_slice %arg4[%add3A_41, %dma_start3A_44] : memref<51200x1024xf32, #tpu.memory_space<hbm>> -> memref<16x1024xf32, #tpu.memory_space<hbm>>
    tpu.enqueue_dma source(%arg6 : memref<16x1024xf32, #tpu.memory_space<vmem>>) target(%dma_start3A_45 : memref<16x1024xf32, #tpu.memory_space<hbm>>) target_semaphore(%arg16 : memref<!tpu.dma_semaphore, #tpu.memory_space<semaphore_mem>>)
    %dma_wait3A_46 = arith.constant 0 : i32
    %dma_wait3A_47 = tpu.memref_slice %arg4[%multiple_of3A, %dma_wait3A_46] : memref<51200x1024xf32, #tpu.memory_space<hbm>> -> memref<16x1024xf32, #tpu.memory_space<hbm>>
    %dma_wait3A_48 = arith.constant 0 : i32
    %dma_wait3A_49 = tpu.memref_slice %arg4[%multiple_of3A, %dma_wait3A_48] : memref<51200x1024xf32, #tpu.memory_space<hbm>> -> memref<16x1024xf32, #tpu.memory_space<hbm>>
    tpu.wait_dma2 semaphore(%arg12 : memref<!tpu.dma_semaphore, #tpu.memory_space<semaphore_mem>>) src(%dma_wait3A_49 : memref<16x1024xf32, #tpu.memory_space<hbm>>) dst(%arg7 : memref<16x1024xf32, #tpu.memory_space<vmem>>)
    %multiple_of3A_50 = arith.constant 1536 : i32
    %multiple_of3A_51 = tpu.assume_multiple %multiple_of3A_50, 8 : i32
    %add3A_52 = arith.addi %multiple_of3A, %multiple_of3A_51 : i32
    %dma_start3A_53 = arith.constant 0 : i32
    %dma_start3A_54 = tpu.memref_slice %arg4[%add3A_52, %dma_start3A_53] : memref<51200x1024xf32, #tpu.memory_space<hbm>> -> memref<16x1024xf32, #tpu.memory_space<hbm>>
    %dma_start3A_55 = arith.constant 0 : i32
    %dma_start3A_56 = tpu.memref_slice %arg4[%add3A_52, %dma_start3A_55] : memref<51200x1024xf32, #tpu.memory_space<hbm>> -> memref<16x1024xf32, #tpu.memory_space<hbm>>
    tpu.enqueue_dma source(%arg7 : memref<16x1024xf32, #tpu.memory_space<vmem>>) target(%dma_start3A_56 : memref<16x1024xf32, #tpu.memory_space<hbm>>) target_semaphore(%arg17 : memref<!tpu.dma_semaphore, #tpu.memory_space<semaphore_mem>>)
    %dma_wait3A_57 = arith.constant 0 : i32
    %dma_wait3A_58 = tpu.memref_slice %arg4[%multiple_of3A, %dma_wait3A_57] : memref<51200x1024xf32, #tpu.memory_space<hbm>> -> memref<16x1024xf32, #tpu.memory_space<hbm>>
    %dma_wait3A_59 = arith.constant 0 : i32
    %dma_wait3A_60 = tpu.memref_slice %arg4[%multiple_of3A, %dma_wait3A_59] : memref<51200x1024xf32, #tpu.memory_space<hbm>> -> memref<16x1024xf32, #tpu.memory_space<hbm>>
    tpu.wait_dma2 semaphore(%arg13 : memref<!tpu.dma_semaphore, #tpu.memory_space<semaphore_mem>>) src(%dma_wait3A_60 : memref<16x1024xf32, #tpu.memory_space<hbm>>) dst(%arg8 : memref<16x1024xf32, #tpu.memory_space<vmem>>)
    %multiple_of3A_61 = arith.constant 1552 : i32
    %multiple_of3A_62 = tpu.assume_multiple %multiple_of3A_61, 8 : i32
    %add3A_63 = arith.addi %multiple_of3A, %multiple_of3A_62 : i32
    %dma_start3A_64 = arith.constant 0 : i32
    %dma_start3A_65 = tpu.memref_slice %arg4[%add3A_63, %dma_start3A_64] : memref<51200x1024xf32, #tpu.memory_space<hbm>> -> memref<16x1024xf32, #tpu.memory_space<hbm>>
    %dma_start3A_66 = arith.constant 0 : i32
    %dma_start3A_67 = tpu.memref_slice %arg4[%add3A_63, %dma_start3A_66] : memref<51200x1024xf32, #tpu.memory_space<hbm>> -> memref<16x1024xf32, #tpu.memory_space<hbm>>
    tpu.enqueue_dma source(%arg8 : memref<16x1024xf32, #tpu.memory_space<vmem>>) target(%dma_start3A_67 : memref<16x1024xf32, #tpu.memory_space<hbm>>) target_semaphore(%arg18 : memref<!tpu.dma_semaphore, #tpu.memory_space<semaphore_mem>>)
    %dma_wait3A_68 = arith.constant 0 : i32
    %dma_wait3A_69 = tpu.memref_slice %arg4[%multiple_of3A, %dma_wait3A_68] : memref<51200x1024xf32, #tpu.memory_space<hbm>> -> memref<16x1024xf32, #tpu.memory_space<hbm>>
    %dma_wait3A_70 = arith.constant 0 : i32
    %dma_wait3A_71 = tpu.memref_slice %arg4[%multiple_of3A, %dma_wait3A_70] : memref<51200x1024xf32, #tpu.memory_space<hbm>> -> memref<16x1024xf32, #tpu.memory_space<hbm>>
    tpu.wait_dma2 semaphore(%arg14 : memref<!tpu.dma_semaphore, #tpu.memory_space<semaphore_mem>>) src(%dma_wait3A_71 : memref<16x1024xf32, #tpu.memory_space<hbm>>) dst(%arg9 : memref<16x1024xf32, #tpu.memory_space<vmem>>)
    %multiple_of3A_72 = arith.constant 1568 : i32
    %multiple_of3A_73 = tpu.assume_multiple %multiple_of3A_72, 8 : i32
    %add3A_74 = arith.addi %multiple_of3A, %multiple_of3A_73 : i32
    %dma_start3A_75 = arith.constant 0 : i32
    %dma_start3A_76 = tpu.memref_slice %arg4[%add3A_74, %dma_start3A_75] : memref<51200x1024xf32, #tpu.memory_space<hbm>> -> memref<16x1024xf32, #tpu.memory_space<hbm>>
    %dma_start3A_77 = arith.constant 0 : i32
    %dma_start3A_78 = tpu.memref_slice %arg4[%add3A_74, %dma_start3A_77] : memref<51200x1024xf32, #tpu.memory_space<hbm>> -> memref<16x1024xf32, #tpu.memory_space<hbm>>
    tpu.enqueue_dma source(%arg9 : memref<16x1024xf32, #tpu.memory_space<vmem>>) target(%dma_start3A_78 : memref<16x1024xf32, #tpu.memory_space<hbm>>) target_semaphore(%arg19 : memref<!tpu.dma_semaphore, #tpu.memory_space<semaphore_mem>>)
    %dma_wait3A_79 = arith.constant 0 : i32
    %dma_wait3A_80 = tpu.memref_slice %arg4[%multiple_of3A, %dma_wait3A_79] : memref<51200x1024xf32, #tpu.memory_space<hbm>> -> memref<16x1024xf32, #tpu.memory_space<hbm>>
    %dma_wait3A_81 = arith.constant 0 : i32
    %dma_wait3A_82 = tpu.memref_slice %arg4[%multiple_of3A, %dma_wait3A_81] : memref<51200x1024xf32, #tpu.memory_space<hbm>> -> memref<16x1024xf32, #tpu.memory_space<hbm>>
    tpu.wait_dma2 semaphore(%arg15 : memref<!tpu.dma_semaphore, #tpu.memory_space<semaphore_mem>>) src(%dma_wait3A_82 : memref<16x1024xf32, #tpu.memory_space<hbm>>) dst(%arg10 : memref<16x1024xf32, #tpu.memory_space<vmem>>)
    %multiple_of3A_83 = arith.constant 1584 : i32
    %multiple_of3A_84 = tpu.assume_multiple %multiple_of3A_83, 8 : i32
    %add3A_85 = arith.addi %multiple_of3A, %multiple_of3A_84 : i32
    %dma_start3A_86 = arith.constant 0 : i32
    %dma_start3A_87 = tpu.memref_slice %arg4[%add3A_85, %dma_start3A_86] : memref<51200x1024xf32, #tpu.memory_space<hbm>> -> memref<16x1024xf32, #tpu.memory_space<hbm>>
    %dma_start3A_88 = arith.constant 0 : i32
    %dma_start3A_89 = tpu.memref_slice %arg4[%add3A_85, %dma_start3A_88] : memref<51200x1024xf32, #tpu.memory_space<hbm>> -> memref<16x1024xf32, #tpu.memory_space<hbm>>
    tpu.enqueue_dma source(%arg10 : memref<16x1024xf32, #tpu.memory_space<vmem>>) target(%dma_start3A_89 : memref<16x1024xf32, #tpu.memory_space<hbm>>) target_semaphore(%arg20 : memref<!tpu.dma_semaphore, #tpu.memory_space<semaphore_mem>>)
    %dma_wait3A_90 = arith.constant 0 : i32
    %dma_wait3A_91 = tpu.memref_slice %arg4[%multiple_of3A, %dma_wait3A_90] : memref<51200x1024xf32, #tpu.memory_space<hbm>> -> memref<16x1024xf32, #tpu.memory_space<hbm>>
    %dma_wait3A_92 = arith.constant 0 : i32
    %dma_wait3A_93 = tpu.memref_slice %arg4[%multiple_of3A, %dma_wait3A_92] : memref<51200x1024xf32, #tpu.memory_space<hbm>> -> memref<16x1024xf32, #tpu.memory_space<hbm>>
    tpu.wait_dma2 semaphore(%arg16 : memref<!tpu.dma_semaphore, #tpu.memory_space<semaphore_mem>>) src(%arg6 : memref<16x1024xf32, #tpu.memory_space<vmem>>) dst(%dma_wait3A_93 : memref<16x1024xf32, #tpu.memory_space<hbm>>)
    %dma_wait3A_94 = arith.constant 0 : i32
    %dma_wait3A_95 = tpu.memref_slice %arg4[%multiple_of3A, %dma_wait3A_94] : memref<51200x1024xf32, #tpu.memory_space<hbm>> -> memref<16x1024xf32, #tpu.memory_space<hbm>>
    %dma_wait3A_96 = arith.constant 0 : i32
    %dma_wait3A_97 = tpu.memref_slice %arg4[%multiple_of3A, %dma_wait3A_96] : memref<51200x1024xf32, #tpu.memory_space<hbm>> -> memref<16x1024xf32, #tpu.memory_space<hbm>>
    tpu.wait_dma2 semaphore(%arg17 : memref<!tpu.dma_semaphore, #tpu.memory_space<semaphore_mem>>) src(%arg7 : memref<16x1024xf32, #tpu.memory_space<vmem>>) dst(%dma_wait3A_97 : memref<16x1024xf32, #tpu.memory_space<hbm>>)
    %dma_wait3A_98 = arith.constant 0 : i32
    %dma_wait3A_99 = tpu.memref_slice %arg4[%multiple_of3A, %dma_wait3A_98] : memref<51200x1024xf32, #tpu.memory_space<hbm>> -> memref<16x1024xf32, #tpu.memory_space<hbm>>
    %dma_wait3A_100 = arith.constant 0 : i32
    %dma_wait3A_101 = tpu.memref_slice %arg4[%multiple_of3A, %dma_wait3A_100] : memref<51200x1024xf32, #tpu.memory_space<hbm>> -> memref<16x1024xf32, #tpu.memory_space<hbm>>
    tpu.wait_dma2 semaphore(%arg18 : memref<!tpu.dma_semaphore, #tpu.memory_space<semaphore_mem>>) src(%arg8 : memref<16x1024xf32, #tpu.memory_space<vmem>>) dst(%dma_wait3A_101 : memref<16x1024xf32, #tpu.memory_space<hbm>>)
    %dma_wait3A_102 = arith.constant 0 : i32
    %dma_wait3A_103 = tpu.memref_slice %arg4[%multiple_of3A, %dma_wait3A_102] : memref<51200x1024xf32, #tpu.memory_space<hbm>> -> memref<16x1024xf32, #tpu.memory_space<hbm>>
    %dma_wait3A_104 = arith.constant 0 : i32
    %dma_wait3A_105 = tpu.memref_slice %arg4[%multiple_of3A, %dma_wait3A_104] : memref<51200x1024xf32, #tpu.memory_space<hbm>> -> memref<16x1024xf32, #tpu.memory_space<hbm>>
    tpu.wait_dma2 semaphore(%arg19 : memref<!tpu.dma_semaphore, #tpu.memory_space<semaphore_mem>>) src(%arg9 : memref<16x1024xf32, #tpu.memory_space<vmem>>) dst(%dma_wait3A_105 : memref<16x1024xf32, #tpu.memory_space<hbm>>)
    %dma_wait3A_106 = arith.constant 0 : i32
    %dma_wait3A_107 = tpu.memref_slice %arg4[%multiple_of3A, %dma_wait3A_106] : memref<51200x1024xf32, #tpu.memory_space<hbm>> -> memref<16x1024xf32, #tpu.memory_space<hbm>>
    %dma_wait3A_108 = arith.constant 0 : i32
    %dma_wait3A_109 = tpu.memref_slice %arg4[%multiple_of3A, %dma_wait3A_108] : memref<51200x1024xf32, #tpu.memory_space<hbm>> -> memref<16x1024xf32, #tpu.memory_space<hbm>>
    tpu.wait_dma2 semaphore(%arg20 : memref<!tpu.dma_semaphore, #tpu.memory_space<semaphore_mem>>) src(%arg10 : memref<16x1024xf32, #tpu.memory_space<vmem>>) dst(%dma_wait3A_109 : memref<16x1024xf32, #tpu.memory_space<hbm>>)
    return
  }
}

</mosaic_0001>

<sc_bundles>
// kernel: _emb.3.cloned.1.call-start
scs
__scs_entry_jumppad:
0x0: {  	(pc) =	sbr.rel $0x88, $3  }
0x1: {  	(tag) =	ssettag $0x0;
	lr =	simm.s32 $0x1  }
0x2: {  	[smem:$0x3F9F] =	sst lr;
	_ =	strace $0xD0000000  }
0x3: {  	_ = 	snop  }
0x4: {  	_ = 	snop  }
0x5: {  	_ = 	snop  }
0x6: {  	_ = 	snop  }
0x7: {  	_ = 	snop  }
__scs_overlays_trampoline_lowered:
0x8: {  	[smem:$0x3FAE] =	sst s0  }
0x9: {  	[smem:$0x3FAF] =	sst s1  }
0xa: {  	[smem:$0x3FB0] =	sst s2  }
0xb: {  	[smem:$0x3FB1] =	sst s3  }
0xc: {  	[smem:$0x3FB2] =	sst s4  }
0xd: {  	[smem:$0x3FB3] =	sst s5  }
0xe: {  	[smem:$0x3FB4] =	sst s6  }
0xf: {  	[smem:$0x3FB5] =	sst s7  }
0x10: {  	[smem:$0x3FB6] =	sst s8  }
0x11: {  	[smem:$0x3FB7] =	sst s9;
	s0 =	simm.s32 @!p0 $0x0  }
0x12: {  	s1 =	sld [smem:$0x3F9D];
	s0 =	simm.s32 @p0 $0x1  }
0x13: {  	[smem:$0x3FB8] =	sst s0;
	s0 =	simm.s32 @!p1 $0x0  }
0x14: {  	s2 =	sld [smem:$0x3F9C];
	s0 =	simm.s32 @p1 $0x1  }
0x15: {  	[smem:$0x3FB9] =	sst s0;
	s0 =	simm.s32 @!p2 $0x0  }
0x16: {  	s3 =	sld [smem:$0x3FDB];
	s0 =	simm.s32 @p2 $0x1  }
0x17: {  	s4 =	simm.s32 $0x1BF5;
	[smem:$0x3FBB] =	sst s0  }
0x18: {  	s0 =	sld [smem:$0x3F9E];
	_ =	swait.ge [sflag:s4], $0x0  }
0x19: {  	s7 =	sld [smem:$0x3F9F]  }
0x1a: {  	s8 =	sadd.s32 $0xFFFFE003, lr  }
0x1b: {  	s9 =	sadd.s32 $0xFFFFFEF7, lr;
	s5 =	simm.s32 $0xFFFFFFFF;
	p2 =	slt.u32 s8, $0xFFFFF086  }
0x1c: {  	p1 =	slt.u32 s9, $0xF7A;
	s5 =	simm.s32 @!p2 $0x0  }
0x1d: {  	s5 =	simm.s32 @p1 $0x1;
	p0 =	seq.s32 s7, s2  }
0x1e: {  	s7 =	smul.u32 @!p0 $0xF7A, s2;
	p2 =	seq.s32 @!p0 s5, $0x0  }
0x1f: {  	s9 =	smul.u32 $0xF7A, s1;
	s8 =	simm.s32 @!p0 $0x1BF5;
	p2 =	por !p2, p0  }
0x20: {  	[sflag:s8] =	ssyncset.s32 @!p0 $0xFFFFF086;
	s6 =	sadd.s32 @!p0 s3, s7;
	s7 =	simm.s32 @!p0 $0x108  }
0x21: {  	s3 =	sadd.s32 s3, s9;
	s6 =	sadd.s32 @!p0 $0x88, s6;
	s7 =	simm.s32 @p2 $0x1082  }
0x22: {  	[simem:s7], [sflag:s8] =	dma.local @!p0 [hbm:s6], $0xF7A  }
0x23: {  	s9 =	sor.u32 $0xD0000000, s2;
	s6 =	simm.s32 $0x108;
	_ =	swait.ge @!p0 [sflag:s8], $0x0  }
0x24: {  	s3 =	sadd.s32 $0x88, s3;
	s6 =	simm.s32 @!p1 $0x1082;
	[sflag:s4] =	ssyncset.s32 $0xFFFFF086  }
0x25: {  	[simem:s6], [sflag:s4] =	dma.local [hbm:s3], $0xF7A  }
0x26: {  	[smem:$0x3F9F] =	sst s1;
	(tag) =	ssettag s2;
	_ =	strace s9  }
0x27: {  	s1 =	sld [smem:$0x3FAF]  }
0x28: {  	s2 =	sld [smem:$0x3FB0]  }
0x29: {  	s4 =	sld [smem:$0x3FB2]  }
0x2a: {  	p0 =	seq.s32 s5, $0x0;
	s5 =	sld [smem:$0x3FB3]  }
0x2b: {  	s6 =	sld [smem:$0x3FB4]  }
0x2c: {  	s7 =	sld [smem:$0x3FB5]  }
0x2d: {  	s3 =	simm.s32 $0x108;
	s8 =	sld [smem:$0x3FB6]  }
0x2e: {  	s3 =	simm.s32 @!p0 $0x1082;
	s9 =	sld [smem:$0x3FB7]  }
0x2f: {  	lr =	sadd.s32 s0, s3;
	s0 =	sld [smem:$0x3FAE]  }
0x30: {  	s3 =	sld [smem:$0x3FB1]  }
0x31: {  	[smem:$0x3FBA] =	sst s10  }
0x32: {  	s10 =	sld [smem:$0x3FB8];
	_ =	sdelay $0x3  }
0x33: {  	p0 =	seq.s32 s10, $0x1;
	s10 =	sld [smem:$0x3FBA];
	_ =	sdelay $0x3  }
0x34: {  	[smem:$0x3FBA] =	sst s10  }
0x35: {  	s10 =	sld [smem:$0x3FB9];
	_ =	sdelay $0x3  }
0x36: {  	p1 =	seq.s32 s10, $0x1;
	s10 =	sld [smem:$0x3FBA];
	_ =	sdelay $0x3  }
0x37: {  	[smem:$0x3FBA] =	sst s10  }
0x38: {  	s10 =	sld [smem:$0x3FBB]  }
0x39: {  	_ = 	snop;
	(pc) =	sbr.ind lr, $3  }
0x3a: {  	_ = 	snop  }
0x3b: {  	_ = 	snop  }
0x3c: {  	p2 =	seq.s32 s10, $0x1;
	s10 =	sld [smem:$0x3FBA]  }
0x3d: {  	_ =	shalt  }
0x3e: {  	_ =	shalt  }
0x3f: {  	_ =	shalt  }
0x40: {  	_ =	shalt  }
0x41: {  	_ =	shalt  }
0x42: {  	_ =	shalt  }
0x43: {  	_ =	shalt  }
0x44: {  	_ =	shalt  }
0x45: {  	_ =	shalt  }
0x46: {  	_ =	shalt  }
0x47: {  	_ =	shalt  }
0x48: {  	_ =	shalt  }
0x49: {  	_ =	shalt  }
0x4a: {  	_ =	shalt  }
0x4b: {  	_ =	shalt  }
0x4c: {  	_ =	shalt  }
0x4d: {  	_ =	shalt  }
0x4e: {  	_ =	shalt  }
0x4f: {  	_ =	shalt  }
0x50: {  	_ =	shalt  }
0x51: {  	_ =	shalt  }
0x52: {  	_ =	shalt  }
0x53: {  	_ =	shalt  }
0x54: {  	_ =	shalt  }
0x55: {  	_ =	shalt  }
0x56: {  	_ =	shalt  }
0x57: {  	_ =	shalt  }
0x58: {  	_ =	shalt  }
0x59: {  	_ =	shalt  }
0x5a: {  	_ =	shalt  }
0x5b: {  	_ =	shalt  }
0x5c: {  	_ =	shalt  }
0x5d: {  	_ =	shalt  }
0x5e: {  	_ =	shalt  }
0x5f: {  	_ =	shalt  }
0x60: {  	_ =	shalt  }
0x61: {  	_ =	shalt  }
0x62: {  	_ =	shalt  }
0x63: {  	_ =	shalt  }
0x64: {  	_ =	shalt  }
0x65: {  	_ =	shalt  }
0x66: {  	_ =	shalt  }
0x67: {  	_ =	shalt  }
0x68: {  	_ =	shalt  }
0x69: {  	_ =	shalt  }
0x6a: {  	_ =	shalt  }
0x6b: {  	_ =	shalt  }
0x6c: {  	_ =	shalt  }
0x6d: {  	_ =	shalt  }
0x6e: {  	_ =	shalt  }
0x6f: {  	_ =	shalt  }
0x70: {  	_ =	shalt  }
0x71: {  	_ =	shalt  }
0x72: {  	_ =	shalt  }
0x73: {  	_ =	shalt  }
0x74: {  	_ =	shalt  }
0x75: {  	_ =	shalt  }
0x76: {  	_ =	shalt  }
0x77: {  	_ =	shalt  }
0x78: {  	_ =	shalt  }
0x79: {  	_ =	shalt  }
0x7a: {  	_ =	shalt  }
0x7b: {  	_ =	shalt  }
0x7c: {  	_ =	shalt  }
0x7d: {  	_ =	shalt  }
0x7e: {  	_ =	shalt  }
0x7f: {  	_ =	shalt  }
0x80: {  	_ =	shalt  }
0x81: {  	_ =	shalt  }
0x82: {  	_ =	shalt  }
0x83: {  	_ =	shalt  }
0x84: {  	_ =	shalt  }
0x85: {  	_ =	shalt  }
0x86: {  	_ =	shalt  }
0x87: {  	_ =	shalt  }
.Lfunc_end0:
.L_simem_size_0:
called_computation_lowered:
.L_overlay_start_0:
0x88: {  	s2 =	sld [smem:$0x3FD9]  }
0x89: {  	s3 =	sld [smem:$0x3FFE];
	_ =	sdelay $0x1  }
0x8a: {  	s1 =	srdreg.scid  }
0x8b: {  	s0 =	sand.u32 $0x1, s1  }
0x8c: {  	s18 =	sshll.u32 s0, $0xA;
	s2 =	sadd.s32 s3, s2  }
0x8d: {  	s2 =	sadd.s32 s2, s18  }
0x8e: {  	[smem:$0x3FC6] =	sst s2  }
0x8f: {  	_ = 	snop  }
0x90: {  	s2 =	sld [smem:$0x3FC9]  }
0x91: {  	s19 =	sld [smem:$0x3FC8]  }
0x92: {  	s4 =	sld [smem:$0x3FD0];
	(tm) =	ssettm $0x1  }
0x93: {  	s5 =	sld [smem:$0x3FFB];
	_ =	sdelay $0x3  }
0x94: {  	_ =	strace s5  }
0x95: {  	s5 =	sld [smem:$0x3FFC];
	_ =	sdelay $0x3  }
0x96: {  	_ =	strace s5  }
0x97: {  	s5 =	sld [smem:$0x3FFD];
	_ =	sdelay $0x3  }
0x98: {  	_ =	strace s5  }
0x99: {  	_ =	strace $0x8FFFFFFF  }
0x9a: {  	s20 =	sld [smem:$0x3FDB];
	_ =	sdelay $0x1  }
0x9b: {  	s6 =	simm.s32 $_scs_section_size  }
0x9c: {  	s7 =	simm.s32 $_size__tile_overlayer_lowered;
	s8 =	simm.s32 $_tile_overlayer_lowered  }
0x9d: {  	s23 =	simm.s32 $0x1BFF;
	s22 =	sshll.u32 s8, $0x1;
	s5 =	sadd.s32 s6, s20  }
0x9e: {  	s9 =	simm.s32 $0x0;
	s21 =	sshll.u32 s7, $0x1;
	s7 =	sadd.s32 s22, s5  }
0x9f: {  	[timem:s9], [sflag:s23] =	dma.local [hbm:s7], s21  }
0xa0: {  	_ =	swait.ge [sflag:s23], s21  }
0xa1: {  	s6 =	ssub.s32 $0x0, s21;
	[sflag:s23] =	ssyncset.done $0x0  }
0xa2: {  	[sflag:s23] =	ssyncadd.s32 s6;
	_ =	sdelay $0x1  }
0xa3: {  	s24 =	simm.s32 $0x1B8B  }
0xa4: {  	_ =	swait.ge [sflag:s24], $0x1  }
0xa5: {  	[sflag:s24] =	ssyncset.done $0x0  }
0xa6: {  	s25 =	simm.s32 $0x1B8E;
	[sflag:s24] =	ssyncadd.s32 $0xFFFFFFFF  }
0xa7: {  	s26 =	simm.s32 $execute0_lowered;
	[smem:$0x3FD2] =	sst s25  }
0xa8: {  	s6 =	sshll.u32 s26, $0x1;
	_ =	strace $0x80000046;
	[dreg:$0x1] =	wrdreg $0xFFFFFFFF  }
0xa9: {  	s28 =	simm.s32 $_size_execute0_lowered;
	s5 =	sadd.s32 s5, s6;
	[dreg:$0x0] =	wrdreg $0x0  }
0xaa: {  	s6 =	sshll.u32 s28, $0x1;
	[dreg:$0x2] =	wrdreg s5  }
0xab: {  	[dreg:$0x3] =	wrdreg s6  }
0xac: {  	[dreg:$0x4] =	wrdreg $0xC0  }
0xad: {  	_ =	task [dreg:s9], $0x5FFFF  }
0xae: {  	[dreg:$0x1] =	wrdreg $0xFFFFFFFF  }
0xaf: {  	[dreg:$0x0] =	wrdreg $0x60  }
0xb0: {  	[dreg:$0x2] =	wrdreg s2  }
0xb1: {  	[dreg:$0x3] =	wrdreg s19  }
0xb2: {  	[dreg:$0x4] =	wrdreg s4  }
0xb3: {  	[dreg:$0x5] =	wrdreg $0x9  }
0xb4: {  	_ =	task.clear_ibuf [dreg:s9], $0x6FFFF;
	_ =	strace $0x90000046  }
0xb5: {  	s29 =	simm.s32 $0x9;
	_ =	strace $0x80000048  }
0xb6: {  	_ =	swait.ge [sflag:s29], $0x1  }
0xb7: {  	[sflag:s29] =	ssyncadd.s32 $0xFFFFFFFF  }
0xb8: {  	_ =	strace $0x90000048  }
0xb9: {  	_ =	sfence  }
0xba: {  	s30 =	sld [smem:$0x0];
	_ =	sdelay $0x2  }
0xbb: {  	s31 =	sshll.u32 s1, $0xD;
	s1 =	sshrl.u32 s1, $0x2  }
0xbc: {  	s3 =	sand.u32 $0x4000, s31;
	s1 =	sadd.s32 s1, s30  }
0xbd: {  	s0 =	sor.u32 s3, s0;
	s1 =	sshll.u32 s1, $0x11  }
0xbe: {  	s0 =	sor.u32 s1, s0  }
0xbf: {  	s0 =	sadd.s32 $0x8F2B, s0  }
0xc0: {  	[sflag:s0] =	ssyncadd.remote.s32 $0x1  }
0xc1: {  	_ =	sfence.sel $0xFFFF  }
0xc2: {  	[dreg:$0x0] =	wrdreg $0xFFFFFFFF;
	(pc) =	sbr.abs _section_cstart, $3  }
0xc3: {  	[dreg:$0x1] =	wrdreg $0xFFFFFFFF  }
0xc4: {  	_ =	task.clear_ibuf [dreg:s9], $0x2FFFF;
	_ =	strace $0x9FFFFFFF  }
0xc5: {  	(tm) =	ssettm $0x7FFFFFFF  }
tec
execute0_lowered:
.L_overlay_start_1:
0x0: {  	(tag) =	ssettag $0x1  }
0x1: {  	s0 =	rddreg [dreg:$0x0]  }
0x2: {  	s2 =	rddreg [dreg:$0x1];
	s1 =	srdreg.scid  }
0x3: {  	s10 =	stileid.u32;
	s4 =	rddreg [dreg:$0x2]  }
0x4: {  	s30 =	simm.s32 $0x2E80;
	s31 =	simm.s32 $0x3E80;
	s29 =	simm.s32 $0x4E80  }
0x5: {  	s15 =	simm.s32 $0x5E80;
	s13 =	simm.s32 $0x6680;
	s28 =	simm.s32 $0xC680  }
0x6: {  	s11 =	simm.s32 $0x6;
	s12 =	simm.s32 $0x7;
	s14 =	simm.s32 $0x8  }
0x7: {  	s16 =	simm.s32 $0x9;
	s1 =	sand.u32 $0x1, s1;
	s3 =	sshll.u32 s10, $0x1  }
0x8: {  	s17 =	simm.s32 $0xA;
	s20 =	smul.u32 $0x64000, s10;
	s5 =	sor.u32 s1, s3  }
0x9: {  	s3 =	simm.s32 $0x0;
	s6 =	ssub.s32 $0x2, s1;
	s1 =	smul.u32 $0x32000, s1  }
0xa: {  	s10 =	simm.s32 $0x5;
	s7 =	smul.u32 $0x640, s5;
	[smem:$0x7FF] =	sst s3  }
0xb: {  	s8 =	sshrl.u32 s6, $0x1;
	s9 =	smul.u32 $0x190000, s5;
	s5 =	sadd.s32 $0x100, s2  }
0xc: {  	_ =	strace $0x80000047;
	s8 =	ssub.s32 s6, s8;
	s6 =	sadd.s32 $0x200, s2  }
0xd: {  	s18 =	sshrl.u32 s7, $0x3;
	s19 =	sshrl.u32 s9, $0x3;
	s26 =	smax.u32 s8, $0x1  }
0xe: {  	s7 =	sadd.s32 $0x300, s2;
	s0 =	sadd.s32 s0, s18;
	[dreg:$0xb] =	wrdreg s26  }
0xf: {  	s18 =	simm.s32 $0x0;
	[dreg:$0x5] =	wrdreg s0;
	s0 =	sadd.s32 s4, s19  }
0x10: {  	s8 =	simm.s32 $0x3;
	[dreg:$0xc] =	wrdreg s18;
	s21 =	sadd.s32 $0x2F800, s0  }
0x11: {  	s9 =	simm.s32 $0x4;
	s22 =	sadd.s32 $0x30000, s0;
	[dreg:$0x6] =	wrdreg s21  }
0x12: {  	s26 =	simm.s32 $0x3680;
	s23 =	sadd.s32 $0x30800, s0;
	[dreg:$0x7] =	wrdreg s22  }
0x13: {  	s4 =	sadd.s32 s20, s4;
	s24 =	sadd.s32 $0x31000, s0;
	[dreg:$0x8] =	wrdreg s23  }
0x14: {  	s20 =	simm.s32 $0xE80;
	s0 =	sadd.s32 $0x31800, s0;
	[dreg:$0x9] =	wrdreg s24  }
0x15: {  	s19 =	simm.s32 $0x1E80;
	s25 =	sadd.s32 s1, s4;
	[dreg:$0xa] =	wrdreg s0  }
0x16: {  	v2 =	vlaneseq.u32;
	s1 =	simm.s32 $0x4680;
	s4 =	simm.s32 $0x2;
	[dreg:$0x4] =	wrdreg s25  }
0x17: {  	vm0 =	vmmov $0xffff;
	v1 =	vshrl.u32 v2, $0x3;
	s23 =	simm.s32 $0x680;
	s21 =	simm.s32 $0x1680;
	s24 =	simm.s32 $0x2680  }
0x18: {  	v0 =	vand.u32 $0x7, v2;
	v2 =	vor.u32 $0x8, v2;
	v1 =	vmul.u32 $0x8, v1;
	s25 =	simm.s32 $0x8680;
	s22 =	simm.s32 $0x10680;
	s0 =	simm.s32 $0x1  }
.LBB2_1:
0x19: {  	s18 =	rddreg [dreg:$0x5]  }
0x1a: {  	[tilespmem:s3], [sflag:$0xB] =	stream.linear.gather [hbm4b:s18+s3], $0x640, $0x38;
	[tilespmem:$0x14680] =	vst v63  }
0x1b: {  	s18 =	simm.s32 $0xB  }
0x1c: {  	_ =	swait.ge [sflag:s18], $0x640  }
0x1d: {  	[sflag:s18] =	ssyncset.done $0x0  }
0x1e: {  	[sflag:s18] =	ssyncadd.s32 $0xFFFFF9C0  }
0x1f: {  	v3 =	vld [tilespmem:$0x0];
	_ =	sdelay $0x4  }
0x20: {  	v4 =	vshll.u32 v3, $0x3  }
0x21: {  	v3 =	vand.u32 $0x7, v3;
	v4 =	vand.u32 $0xFFFFFFC0, v4  }
0x22: {  	v3 =	vor.u32 v3, v4  }
0x23: {  	v4 =	vperm.xlane v3, v0;
	_ =	sdelay $0x1  }
0x24: {  	v4 =	vadd.s32 v1, v4;
	_ =	sdelay $0x4  }
0x25: {  	[tilespmem:s23], [sflag:$0x1] =	stream.indirect_vreg.gather [hbm4b:s2+s3], $0x80, v4, vm0, $0xb8;
	[tilespmem:$0x14680] =	vst v63  }
0x26: {  	v3 =	vperm.xlane v3, v2  }
0x27: {  	[tilespmem:s20], [sflag:$0x1] =	stream.indirect_vreg.gather [hbm4b:s5+s3], $0x80, v4, vm0, $0xb8;
	[tilespmem:$0x14680] =	vst v63  }
0x28: {  	v3 =	vadd.s32 v1, v3  }
0x29: {  	[tilespmem:s21], [sflag:$0x1] =	stream.indirect_vreg.gather [hbm4b:s6+s3], $0x80, v4, vm0, $0xb8;
	[tilespmem:$0x14680] =	vst v63  }
0x2a: {  	_ = 	snop  }
0x2b: {  	[tilespmem:s19], [sflag:$0x1] =	stream.indirect_vreg.gather [hbm4b:s7+s3], $0x80, v4, vm0, $0xb8;
	[tilespmem:$0x14680] =	vst v63  }
0x2c: {  	_ = 	snop  }
0x2d: {  	[tilespmem:s24], [sflag:$0x1] =	stream.indirect_vreg.gather [hbm4b:s2+s3], $0x80, v3, vm0, $0xb8;
	[tilespmem:$0x14680] =	vst v63  }
0x2e: {  	_ = 	snop  }
0x2f: {  	[tilespmem:s30], [sflag:$0x1] =	stream.indirect_vreg.gather [hbm4b:s5+s3], $0x80, v3, vm0, $0xb8;
	[tilespmem:$0x14680] =	vst v63  }
0x30: {  	_ = 	snop  }
0x31: {  	[tilespmem:s26], [sflag:$0x1] =	stream.indirect_vreg.gather [hbm4b:s6+s3], $0x80, v3, vm0, $0xb8;
	[tilespmem:$0x14680] =	vst v63  }
0x32: {  	_ = 	snop  }
0x33: {  	[tilespmem:s31], [sflag:$0x1] =	stream.indirect_vreg.gather [hbm4b:s7+s3], $0x80, v3, vm0, $0xb8;
	[tilespmem:$0x14680] =	vst v63  }
0x34: {  	v3 =	vld [tilespmem:$0x10];
	_ =	sdelay $0x4  }
0x35: {  	v60 =	vshll.u32 v3, $0x3  }
0x36: {  	v3 =	vand.u32 $0x7, v3;
	v4 =	vand.u32 $0xFFFFFFC0, v60  }
0x37: {  	v3 =	vor.u32 v3, v4  }
0x38: {  	v4 =	vperm.xlane v3, v0;
	_ =	sdelay $0x1  }
0x39: {  	v4 =	vadd.s32 v1, v4;
	_ =	sdelay $0x4  }
0x3a: {  	[tilespmem:s1], [sflag:$0x2] =	stream.indirect_vreg.gather [hbm4b:s2+s3], $0x80, v4, vm0, $0xb8;
	[tilespmem:$0x14680] =	vst v63  }
0x3b: {  	v3 =	vperm.xlane v3, v2  }
0x3c: {  	[tilespmem:s29], [sflag:$0x2] =	stream.indirect_vreg.gather [hbm4b:s5+s3], $0x80, v4, vm0, $0xb8;
	[tilespmem:$0x14680] =	vst v63  }
0x3d: {  	s30 =	simm.s32 $0x5680;
	v3 =	vadd.s32 v1, v3  }
0x3e: {  	[tilespmem:s30], [sflag:$0x2] =	stream.indirect_vreg.gather [hbm4b:s6+s3], $0x80, v4, vm0, $0xb8;
	[tilespmem:$0x14680] =	vst v63  }
0x3f: {  	_ = 	snop  }
0x40: {  	[tilespmem:s15], [sflag:$0x2] =	stream.indirect_vreg.gather [hbm4b:s7+s3], $0x80, v4, vm0, $0xb8;
	[tilespmem:$0x14680] =	vst v63  }
0x41: {  	_ = 	snop  }
0x42: {  	[tilespmem:s13], [sflag:$0x2] =	stream.indirect_vreg.gather [hbm4b:s2+s3], $0x80, v3, vm0, $0xb8;
	[tilespmem:$0x14680] =	vst v63  }
0x43: {  	s18 =	simm.s32 $0x6E80  }
0x44: {  	[tilespmem:s18], [sflag:$0x2] =	stream.indirect_vreg.gather [hbm4b:s5+s3], $0x80, v3, vm0, $0xb8;
	[tilespmem:$0x14680] =	vst v63  }
0x45: {  	s19 =	simm.s32 $0x7680  }
0x46: {  	[tilespmem:s19], [sflag:$0x2] =	stream.indirect_vreg.gather [hbm4b:s6+s3], $0x80, v3, vm0, $0xb8;
	[tilespmem:$0x14680] =	vst v63  }
0x47: {  	s20 =	simm.s32 $0x7E80  }
0x48: {  	[tilespmem:s20], [sflag:$0x2] =	stream.indirect_vreg.gather [hbm4b:s7+s3], $0x80, v3, vm0, $0xb8;
	[tilespmem:$0x14680] =	vst v63  }
0x49: {  	v3 =	vld [tilespmem:$0x20];
	_ =	sdelay $0x4  }
0x4a: {  	v61 =	vshll.u32 v3, $0x3  }
0x4b: {  	v3 =	vand.u32 $0x7, v3;
	v4 =	vand.u32 $0xFFFFFFC0, v61  }
0x4c: {  	v3 =	vor.u32 v3, v4  }
0x4d: {  	v4 =	vperm.xlane v3, v0;
	_ =	sdelay $0x1  }
0x4e: {  	v4 =	vadd.s32 v1, v4;
	_ =	sdelay $0x4  }
0x4f: {  	[tilespmem:s25], [sflag:$0x3] =	stream.indirect_vreg.gather [hbm4b:s2+s3], $0x80, v4, vm0, $0xb8;
	[tilespmem:$0x14680] =	vst v63  }
0x50: {  	s21 =	simm.s32 $0x8E80;
	v3 =	vperm.xlane v3, v2  }
0x51: {  	[tilespmem:s21], [sflag:$0x3] =	stream.indirect_vreg.gather [hbm4b:s5+s3], $0x80, v4, vm0, $0xb8;
	[tilespmem:$0x14680] =	vst v63  }
0x52: {  	s23 =	simm.s32 $0x9680;
	v3 =	vadd.s32 v1, v3  }
0x53: {  	[tilespmem:s23], [sflag:$0x3] =	stream.indirect_vreg.gather [hbm4b:s6+s3], $0x80, v4, vm0, $0xb8;
	[tilespmem:$0x14680] =	vst v63  }
0x54: {  	s24 =	simm.s32 $0x9E80  }
0x55: {  	[tilespmem:s24], [sflag:$0x3] =	stream.indirect_vreg.gather [hbm4b:s7+s3], $0x80, v4, vm0, $0xb8;
	[tilespmem:$0x14680] =	vst v63  }
0x56: {  	s25 =	simm.s32 $0xA680  }
0x57: {  	[tilespmem:s25], [sflag:$0x3] =	stream.indirect_vreg.gather [hbm4b:s2+s3], $0x80, v3, vm0, $0xb8;
	[tilespmem:$0x14680] =	vst v63  }
0x58: {  	s26 =	simm.s32 $0xAE80  }
0x59: {  	[tilespmem:s26], [sflag:$0x3] =	stream.indirect_vreg.gather [hbm4b:s5+s3], $0x80, v3, vm0, $0xb8;
	[tilespmem:$0x14680] =	vst v63  }
0x5a: {  	s30 =	simm.s32 $0xB680  }
0x5b: {  	[tilespmem:s30], [sflag:$0x3] =	stream.indirect_vreg.gather [hbm4b:s6+s3], $0x80, v3, vm0, $0xb8;
	[tilespmem:$0x14680] =	vst v63  }
0x5c: {  	s13 =	simm.s32 $0xBE80  }
0x5d: {  	[tilespmem:s13], [sflag:$0x3] =	stream.indirect_vreg.gather [hbm4b:s7+s3], $0x80, v3, vm0, $0xb8;
	[tilespmem:$0x14680] =	vst v63  }
0x5e: {  	v3 =	vld [tilespmem:$0x30];
	_ =	sdelay $0x4  }
0x5f: {  	v62 =	vshll.u32 v3, $0x3  }
0x60: {  	v3 =	vand.u32 $0x7, v3;
	v4 =	vand.u32 $0xFFFFFFC0, v62  }
0x61: {  	v3 =	vor.u32 v3, v4  }
0x62: {  	v4 =	vperm.xlane v3, v0;
	_ =	sdelay $0x1  }
0x63: {  	v4 =	vadd.s32 v1, v4;
	_ =	sdelay $0x4  }
0x64: {  	[tilespmem:s28], [sflag:$0x4] =	stream.indirect_vreg.gather [hbm4b:s2+s3], $0x80, v4, vm0, $0xb8;
	[tilespmem:$0x14680] =	vst v63  }
0x65: {  	s15 =	simm.s32 $0xCE80;
	v3 =	vperm.xlane v3, v2  }
0x66: {  	[tilespmem:s15], [sflag:$0x4] =	stream.indirect_vreg.gather [hbm4b:s5+s3], $0x80, v4, vm0, $0xb8;
	[tilespmem:$0x14680] =	vst v63  }
0x67: {  	s18 =	simm.s32 $0xD680;
	v3 =	vadd.s32 v1, v3  }
0x68: {  	[tilespmem:s18], [sflag:$0x4] =	stream.indirect_vreg.gather [hbm4b:s6+s3], $0x80, v4, vm0, $0xb8;
	[tilespmem:$0x14680] =	vst v63  }
0x69: {  	s19 =	simm.s32 $0xDE80  }
0x6a: {  	[tilespmem:s19], [sflag:$0x4] =	stream.indirect_vreg.gather [hbm4b:s7+s3], $0x80, v4, vm0, $0xb8;
	[tilespmem:$0x14680] =	vst v63  }
0x6b: {  	s20 =	simm.s32 $0xE680  }
0x6c: {  	[tilespmem:s20], [sflag:$0x4] =	stream.indirect_vreg.gather [hbm4b:s2+s3], $0x80, v3, vm0, $0xb8;
	[tilespmem:$0x14680] =	vst v63  }
0x6d: {  	s21 =	simm.s32 $0xEE80  }
0x6e: {  	[tilespmem:s21], [sflag:$0x4] =	stream.indirect_vreg.gather [hbm4b:s5+s3], $0x80, v3, vm0, $0xb8;
	[tilespmem:$0x14680] =	vst v63  }
0x6f: {  	s23 =	simm.s32 $0xF680  }
0x70: {  	[tilespmem:s23], [sflag:$0x4] =	stream.indirect_vreg.gather [hbm4b:s6+s3], $0x80, v3, vm0, $0xb8;
	[tilespmem:$0x14680] =	vst v63  }
0x71: {  	s24 =	simm.s32 $0xFE80  }
0x72: {  	[tilespmem:s24], [sflag:$0x4] =	stream.indirect_vreg.gather [hbm4b:s7+s3], $0x80, v3, vm0, $0xb8;
	[tilespmem:$0x14680] =	vst v63  }
0x73: {  	v3 =	vld [tilespmem:$0x40];
	_ =	sdelay $0x4  }
0x74: {  	v63 =	vshll.u32 v3, $0x3  }
0x75: {  	v3 =	vand.u32 $0x7, v3;
	v4 =	vand.u32 $0xFFFFFFC0, v63  }
0x76: {  	v3 =	vor.u32 v3, v4  }
0x77: {  	v4 =	vperm.xlane v3, v0;
	_ =	sdelay $0x1  }
0x78: {  	v4 =	vadd.s32 v1, v4;
	_ =	sdelay $0x4  }
0x79: {  	[tilespmem:s22], [sflag:$0x5] =	stream.indirect_vreg.gather [hbm4b:s2+s3], $0x80, v4, vm0, $0xb8;
	[tilespmem:$0x14680] =	vst v63  }
0x7a: {  	s25 =	simm.s32 $0x10E80;
	v3 =	vperm.xlane v3, v2  }
0x7b: {  	[tilespmem:s25], [sflag:$0x5] =	stream.indirect_vreg.gather [hbm4b:s5+s3], $0x80, v4, vm0, $0xb8;
	[tilespmem:$0x14680] =	vst v63  }
0x7c: {  	s26 =	simm.s32 $0x11680;
	v3 =	vadd.s32 v1, v3  }
0x7d: {  	[tilespmem:s26], [sflag:$0x5] =	stream.indirect_vreg.gather [hbm4b:s6+s3], $0x80, v4, vm0, $0xb8;
	[tilespmem:$0x14680] =	vst v63  }
0x7e: {  	s28 =	simm.s32 $0x11E80  }
0x7f: {  	[tilespmem:s28], [sflag:$0x5] =	stream.indirect_vreg.gather [hbm4b:s7+s3], $0x80, v4, vm0, $0xb8;
	[tilespmem:$0x14680] =	vst v63  }
0x80: {  	s30 =	simm.s32 $0x12680  }
0x81: {  	[tilespmem:s30], [sflag:$0x5] =	stream.indirect_vreg.gather [hbm4b:s2+s3], $0x80, v3, vm0, $0xb8;
	[tilespmem:$0x14680] =	vst v63  }
0x82: {  	s24 =	simm.s32 $0x12E80  }
0x83: {  	[tilespmem:s24], [sflag:$0x5] =	stream.indirect_vreg.gather [hbm4b:s5+s3], $0x80, v3, vm0, $0xb8;
	[tilespmem:$0x14680] =	vst v63  }
0x84: {  	s31 =	simm.s32 $0x5680;
	s29 =	simm.s32 $0x13E80;
	s26 =	simm.s32 $0x13680  }
0x85: {  	[tilespmem:s26], [sflag:$0x5] =	stream.indirect_vreg.gather [hbm4b:s6+s3], $0x80, v3, vm0, $0xb8;
	[tilespmem:$0x14680] =	vst v63  }
0x86: {  	s15 =	simm.s32 $0x6E80;
	s18 =	simm.s32 $0x90;
	s19 =	simm.s32 $0x0  }
0x87: {  	[tilespmem:s29], [sflag:$0x5] =	stream.indirect_vreg.gather [hbm4b:s7+s3], $0x80, v3, vm0, $0xb8;
	[tilespmem:$0x14680] =	vst v63  }
.LBB2_2:
0x88: {  	_ =	swait.ge [sflag:s0], $0x4000  }
0x89: {  	s20 =	rddreg [dreg:$0x4];
	[sflag:s0] =	ssyncset.done $0x0  }
0x8a: {  	s1 =	simm.s32 $0x680;
	[sflag:s0] =	ssyncadd.s32 $0xFFFFC000;
	s20 =	sadd.s32 s19, s20  }
0x8b: {  	[hbm4b:s20+s3] =	stream.linear.scatter [tilespmem:s1], [sflag:$0x6], $0x4000, $0x38;
	[tilespmem:$0x14680] =	vst v63  }
0x8c: {  	_ =	swait.ge [sflag:s4], $0x4000  }
0x8d: {  	[sflag:s4] =	ssyncset.done $0x0  }
0x8e: {  	s13 =	simm.s32 $0x4680;
	s21 =	sadd.s32 $0x800, s20;
	[sflag:s4] =	ssyncadd.s32 $0xFFFFC000  }
0x8f: {  	[hbm4b:s21+s3] =	stream.linear.scatter [tilespmem:s13], [sflag:$0x7], $0x4000, $0x38;
	[tilespmem:$0x14680] =	vst v63  }
0x90: {  	_ =	swait.ge [sflag:s8], $0x4000  }
0x91: {  	[sflag:s8] =	ssyncset.done $0x0  }
0x92: {  	s28 =	simm.s32 $0x8680;
	s30 =	sadd.s32 $0x1000, s20;
	[sflag:s8] =	ssyncadd.s32 $0xFFFFC000  }
0x93: {  	[hbm4b:s30+s3] =	stream.linear.scatter [tilespmem:s28], [sflag:$0x8], $0x4000, $0x38;
	[tilespmem:$0x14680] =	vst v63  }
0x94: {  	_ =	swait.ge [sflag:s9], $0x4000  }
0x95: {  	[sflag:s9] =	ssyncset.done $0x0  }
0x96: {  	s23 =	sadd.s32 $0x1800, s20;
	s30 =	simm.s32 $0xC680;
	[sflag:s9] =	ssyncadd.s32 $0xFFFFC000  }
0x97: {  	[hbm4b:s23+s3] =	stream.linear.scatter [tilespmem:s30], [sflag:$0x9], $0x4000, $0x38;
	[tilespmem:$0x14680] =	vst v63  }
0x98: {  	_ =	swait.ge [sflag:s10], $0x4000  }
0x99: {  	[sflag:s10] =	ssyncset.done $0x0  }
0x9a: {  	s20 =	sadd.s32 $0x2000, s20;
	[sflag:s10] =	ssyncadd.s32 $0xFFFFC000  }
0x9b: {  	[hbm4b:s20+s3] =	stream.linear.scatter [tilespmem:s22], [sflag:$0xA], $0x4000, $0x38;
	[tilespmem:$0x14680] =	vst v63  }
0x9c: {  	_ =	swait.ge [sflag:s11], $0x4000  }
0x9d: {  	[sflag:s11] =	ssyncset.done $0x0  }
0x9e: {  	[sflag:s11] =	ssyncadd.s32 $0xFFFFC000  }
0x9f: {  	v3 =	vld [tilespmem:s18+$0xFFFFFFC0];
	_ =	sdelay $0x4  }
0xa0: {  	v4 =	vshll.u32 v3, $0x3  }
0xa1: {  	v3 =	vand.u32 $0x7, v3;
	v4 =	vand.u32 $0xFFFFFFC0, v4  }
0xa2: {  	v3 =	vor.u32 v3, v4  }
0xa3: {  	v4 =	vperm.xlane v3, v0;
	_ =	sdelay $0x1  }
0xa4: {  	v4 =	vadd.s32 v1, v4;
	_ =	sdelay $0x4  }
0xa5: {  	[tilespmem:s1], [sflag:$0x1] =	stream.indirect_vreg.gather [hbm4b:s2+s3], $0x80, v4, vm0, $0xb8;
	[tilespmem:$0x14680] =	vst v63  }
0xa6: {  	s20 =	simm.s32 $0xE80;
	v3 =	vperm.xlane v3, v2  }
0xa7: {  	[tilespmem:s20], [sflag:$0x1] =	stream.indirect_vreg.gather [hbm4b:s5+s3], $0x80, v4, vm0, $0xb8;
	[tilespmem:$0x14680] =	vst v63  }
0xa8: {  	s21 =	simm.s32 $0x1680;
	v3 =	vadd.s32 v1, v3  }
0xa9: {  	[tilespmem:s21], [sflag:$0x1] =	stream.indirect_vreg.gather [hbm4b:s6+s3], $0x80, v4, vm0, $0xb8;
	[tilespmem:$0x14680] =	vst v63  }
0xaa: {  	s25 =	simm.s32 $0x1E80  }
0xab: {  	[tilespmem:s25], [sflag:$0x1] =	stream.indirect_vreg.gather [hbm4b:s7+s3], $0x80, v4, vm0, $0xb8;
	[tilespmem:$0x14680] =	vst v63  }
0xac: {  	s25 =	simm.s32 $0x2680  }
0xad: {  	[tilespmem:s25], [sflag:$0x1] =	stream.indirect_vreg.gather [hbm4b:s2+s3], $0x80, v3, vm0, $0xb8;
	[tilespmem:$0x14680] =	vst v63  }
0xae: {  	s25 =	simm.s32 $0x2E80  }
0xaf: {  	[tilespmem:s25], [sflag:$0x1] =	stream.indirect_vreg.gather [hbm4b:s5+s3], $0x80, v3, vm0, $0xb8;
	[tilespmem:$0x14680] =	vst v63  }
0xb0: {  	s25 =	simm.s32 $0x3680  }
0xb1: {  	[tilespmem:s25], [sflag:$0x1] =	stream.indirect_vreg.gather [hbm4b:s6+s3], $0x80, v3, vm0, $0xb8;
	[tilespmem:$0x14680] =	vst v63  }
0xb2: {  	s25 =	simm.s32 $0x3E80  }
0xb3: {  	[tilespmem:s25], [sflag:$0x1] =	stream.indirect_vreg.gather [hbm4b:s7+s3], $0x80, v3, vm0, $0xb8;
	[tilespmem:$0x14680] =	vst v63  }
0xb4: {  	_ =	swait.ge [sflag:s12], $0x4000  }
0xb5: {  	[sflag:s12] =	ssyncset.done $0x0  }
0xb6: {  	[sflag:s12] =	ssyncadd.s32 $0xFFFFC000  }
0xb7: {  	v3 =	vld [tilespmem:s18+$0xFFFFFFD0];
	_ =	sdelay $0x4  }
0xb8: {  	v60 =	vshll.u32 v3, $0x3  }
0xb9: {  	v3 =	vand.u32 $0x7, v3;
	v4 =	vand.u32 $0xFFFFFFC0, v60  }
0xba: {  	v3 =	vor.u32 v3, v4  }
0xbb: {  	v4 =	vperm.xlane v3, v0;
	_ =	sdelay $0x1  }
0xbc: {  	v4 =	vadd.s32 v1, v4;
	_ =	sdelay $0x4  }
0xbd: {  	[tilespmem:s13], [sflag:$0x2] =	stream.indirect_vreg.gather [hbm4b:s2+s3], $0x80, v4, vm0, $0xb8;
	[tilespmem:$0x14680] =	vst v63  }
0xbe: {  	s25 =	simm.s32 $0x4E80;
	v3 =	vperm.xlane v3, v2  }
0xbf: {  	[tilespmem:s25], [sflag:$0x2] =	stream.indirect_vreg.gather [hbm4b:s5+s3], $0x80, v4, vm0, $0xb8;
	[tilespmem:$0x14680] =	vst v63  }
0xc0: {  	v3 =	vadd.s32 v1, v3  }
0xc1: {  	[tilespmem:s31], [sflag:$0x2] =	stream.indirect_vreg.gather [hbm4b:s6+s3], $0x80, v4, vm0, $0xb8;
	[tilespmem:$0x14680] =	vst v63  }
0xc2: {  	s25 =	simm.s32 $0x5E80  }
0xc3: {  	[tilespmem:s25], [sflag:$0x2] =	stream.indirect_vreg.gather [hbm4b:s7+s3], $0x80, v4, vm0, $0xb8;
	[tilespmem:$0x14680] =	vst v63  }
0xc4: {  	s13 =	simm.s32 $0x6680  }
0xc5: {  	[tilespmem:s13], [sflag:$0x2] =	stream.indirect_vreg.gather [hbm4b:s2+s3], $0x80, v3, vm0, $0xb8;
	[tilespmem:$0x14680] =	vst v63  }
0xc6: {  	_ = 	snop  }
0xc7: {  	[tilespmem:s15], [sflag:$0x2] =	stream.indirect_vreg.gather [hbm4b:s5+s3], $0x80, v3, vm0, $0xb8;
	[tilespmem:$0x14680] =	vst v63  }
0xc8: {  	s25 =	simm.s32 $0x7680  }
0xc9: {  	[tilespmem:s25], [sflag:$0x2] =	stream.indirect_vreg.gather [hbm4b:s6+s3], $0x80, v3, vm0, $0xb8;
	[tilespmem:$0x14680] =	vst v63  }
0xca: {  	s25 =	simm.s32 $0x7E80  }
0xcb: {  	[tilespmem:s25], [sflag:$0x2] =	stream.indirect_vreg.gather [hbm4b:s7+s3], $0x80, v3, vm0, $0xb8;
	[tilespmem:$0x14680] =	vst v63  }
0xcc: {  	_ =	swait.ge [sflag:s14], $0x4000  }
0xcd: {  	[sflag:s14] =	ssyncset.done $0x0  }
0xce: {  	[sflag:s14] =	ssyncadd.s32 $0xFFFFC000  }
0xcf: {  	v3 =	vld [tilespmem:s18+$0xFFFFFFE0];
	_ =	sdelay $0x4  }
0xd0: {  	v61 =	vshll.u32 v3, $0x3  }
0xd1: {  	v3 =	vand.u32 $0x7, v3;
	v4 =	vand.u32 $0xFFFFFFC0, v61  }
0xd2: {  	v3 =	vor.u32 v3, v4  }
0xd3: {  	v4 =	vperm.xlane v3, v0;
	_ =	sdelay $0x1  }
0xd4: {  	v4 =	vadd.s32 v1, v4;
	_ =	sdelay $0x4  }
0xd5: {  	[tilespmem:s28], [sflag:$0x3] =	stream.indirect_vreg.gather [hbm4b:s2+s3], $0x80, v4, vm0, $0xb8;
	[tilespmem:$0x14680] =	vst v63  }
0xd6: {  	v3 =	vperm.xlane v3, v2;
	s28 =	simm.s32 $0x8E80  }
0xd7: {  	[tilespmem:s28], [sflag:$0x3] =	stream.indirect_vreg.gather [hbm4b:s5+s3], $0x80, v4, vm0, $0xb8;
	[tilespmem:$0x14680] =	vst v63  }
0xd8: {  	v3 =	vadd.s32 v1, v3;
	s28 =	simm.s32 $0x9680  }
0xd9: {  	[tilespmem:s28], [sflag:$0x3] =	stream.indirect_vreg.gather [hbm4b:s6+s3], $0x80, v4, vm0, $0xb8;
	[tilespmem:$0x14680] =	vst v63  }
0xda: {  	s28 =	simm.s32 $0x9E80  }
0xdb: {  	[tilespmem:s28], [sflag:$0x3] =	stream.indirect_vreg.gather [hbm4b:s7+s3], $0x80, v4, vm0, $0xb8;
	[tilespmem:$0x14680] =	vst v63  }
0xdc: {  	s28 =	simm.s32 $0xA680  }
0xdd: {  	[tilespmem:s28], [sflag:$0x3] =	stream.indirect_vreg.gather [hbm4b:s2+s3], $0x80, v3, vm0, $0xb8;
	[tilespmem:$0x14680] =	vst v63  }
0xde: {  	s28 =	simm.s32 $0xAE80  }
0xdf: {  	[tilespmem:s28], [sflag:$0x3] =	stream.indirect_vreg.gather [hbm4b:s5+s3], $0x80, v3, vm0, $0xb8;
	[tilespmem:$0x14680] =	vst v63  }
0xe0: {  	s28 =	simm.s32 $0xB680  }
0xe1: {  	[tilespmem:s28], [sflag:$0x3] =	stream.indirect_vreg.gather [hbm4b:s6+s3], $0x80, v3, vm0, $0xb8;
	[tilespmem:$0x14680] =	vst v63  }
0xe2: {  	s28 =	simm.s32 $0xBE80  }
0xe3: {  	[tilespmem:s28], [sflag:$0x3] =	stream.indirect_vreg.gather [hbm4b:s7+s3], $0x80, v3, vm0, $0xb8;
	[tilespmem:$0x14680] =	vst v63  }
0xe4: {  	_ =	swait.ge [sflag:s16], $0x4000  }
0xe5: {  	[sflag:s16] =	ssyncset.done $0x0  }
0xe6: {  	[sflag:s16] =	ssyncadd.s32 $0xFFFFC000  }
0xe7: {  	v3 =	vld [tilespmem:s18+$0xFFFFFFF0];
	_ =	sdelay $0x4  }
0xe8: {  	v62 =	vshll.u32 v3, $0x3  }
0xe9: {  	v3 =	vand.u32 $0x7, v3;
	v4 =	vand.u32 $0xFFFFFFC0, v62  }
0xea: {  	v3 =	vor.u32 v3, v4  }
0xeb: {  	v4 =	vperm.xlane v3, v0;
	_ =	sdelay $0x1  }
0xec: {  	v4 =	vadd.s32 v1, v4;
	_ =	sdelay $0x4  }
0xed: {  	[tilespmem:s30], [sflag:$0x4] =	stream.indirect_vreg.gather [hbm4b:s2+s3], $0x80, v4, vm0, $0xb8;
	[tilespmem:$0x14680] =	vst v63  }
0xee: {  	v3 =	vperm.xlane v3, v2;
	s30 =	simm.s32 $0xCE80  }
0xef: {  	[tilespmem:s30], [sflag:$0x4] =	stream.indirect_vreg.gather [hbm4b:s5+s3], $0x80, v4, vm0, $0xb8;
	[tilespmem:$0x14680] =	vst v63  }
0xf0: {  	v3 =	vadd.s32 v1, v3;
	s30 =	simm.s32 $0xD680  }
0xf1: {  	[tilespmem:s30], [sflag:$0x4] =	stream.indirect_vreg.gather [hbm4b:s6+s3], $0x80, v4, vm0, $0xb8;
	[tilespmem:$0x14680] =	vst v63  }
0xf2: {  	s30 =	simm.s32 $0xDE80  }
0xf3: {  	[tilespmem:s30], [sflag:$0x4] =	stream.indirect_vreg.gather [hbm4b:s7+s3], $0x80, v4, vm0, $0xb8;
	[tilespmem:$0x14680] =	vst v63  }
0xf4: {  	s30 =	simm.s32 $0xE680  }
0xf5: {  	[tilespmem:s30], [sflag:$0x4] =	stream.indirect_vreg.gather [hbm4b:s2+s3], $0x80, v3, vm0, $0xb8;
	[tilespmem:$0x14680] =	vst v63  }
0xf6: {  	s30 =	simm.s32 $0xEE80  }
0xf7: {  	[tilespmem:s30], [sflag:$0x4] =	stream.indirect_vreg.gather [hbm4b:s5+s3], $0x80, v3, vm0, $0xb8;
	[tilespmem:$0x14680] =	vst v63  }
0xf8: {  	s30 =	simm.s32 $0xF680  }
0xf9: {  	[tilespmem:s30], [sflag:$0x4] =	stream.indirect_vreg.gather [hbm4b:s6+s3], $0x80, v3, vm0, $0xb8;
	[tilespmem:$0x14680] =	vst v63  }
0xfa: {  	s30 =	simm.s32 $0xFE80  }
0xfb: {  	[tilespmem:s30], [sflag:$0x4] =	stream.indirect_vreg.gather [hbm4b:s7+s3], $0x80, v3, vm0, $0xb8;
	[tilespmem:$0x14680] =	vst v63  }
0xfc: {  	_ =	swait.ge [sflag:s17], $0x4000  }
0xfd: {  	[sflag:s17] =	ssyncset.done $0x0  }
0xfe: {  	[sflag:s17] =	ssyncadd.s32 $0xFFFFC000  }
0xff: {  	v3 =	vld [tilespmem:s18+$0x0];
	_ =	sdelay $0x4  }
0x100: {  	v63 =	vshll.u32 v3, $0x3  }
0x101: {  	v3 =	vand.u32 $0x7, v3;
	v4 =	vand.u32 $0xFFFFFFC0, v63  }
0x102: {  	v3 =	vor.u32 v3, v4  }
0x103: {  	v4 =	vperm.xlane v3, v0;
	_ =	sdelay $0x1  }
0x104: {  	v4 =	vadd.s32 v1, v4;
	_ =	sdelay $0x4  }
0x105: {  	[tilespmem:s22], [sflag:$0x5] =	stream.indirect_vreg.gather [hbm4b:s2+s3], $0x80, v4, vm0, $0xb8;
	[tilespmem:$0x14680] =	vst v63  }
0x106: {  	s30 =	simm.s32 $0x10E80;
	v3 =	vperm.xlane v3, v2  }
0x107: {  	[tilespmem:s30], [sflag:$0x5] =	stream.indirect_vreg.gather [hbm4b:s5+s3], $0x80, v4, vm0, $0xb8;
	[tilespmem:$0x14680] =	vst v63  }
0x108: {  	v3 =	vadd.s32 v1, v3;
	s30 =	simm.s32 $0x11680  }
0x109: {  	[tilespmem:s30], [sflag:$0x5] =	stream.indirect_vreg.gather [hbm4b:s6+s3], $0x80, v4, vm0, $0xb8;
	[tilespmem:$0x14680] =	vst v63  }
0x10a: {  	s30 =	simm.s32 $0x11E80  }
0x10b: {  	[tilespmem:s30], [sflag:$0x5] =	stream.indirect_vreg.gather [hbm4b:s7+s3], $0x80, v4, vm0, $0xb8;
	[tilespmem:$0x14680] =	vst v63  }
0x10c: {  	s30 =	simm.s32 $0x12680  }
0x10d: {  	[tilespmem:s30], [sflag:$0x5] =	stream.indirect_vreg.gather [hbm4b:s2+s3], $0x80, v3, vm0, $0xb8;
	[tilespmem:$0x14680] =	vst v63  }
0x10e: {  	p0 =	sne.s32 s19, $0x2D000  }
0x10f: {  	[tilespmem:s24], [sflag:$0x5] =	stream.indirect_vreg.gather [hbm4b:s5+s3], $0x80, v3, vm0, $0xb8;
	[tilespmem:$0x14680] =	vst v63  }
.Ltmp0:
0x110: {  	_ = 	snop;
	(pc) =	sbr.rel @p0 .LBB2_2-.Ltmp0, $4  }
0x111: {  	s19 =	sadd.s32 $0x2800, s19;
	s23 =	simm.s32 $0x680;
	s1 =	simm.s32 $0x4680  }
0x112: {  	[tilespmem:s26], [sflag:$0x5] =	stream.indirect_vreg.gather [hbm4b:s6+s3], $0x80, v3, vm0, $0xb8;
	[tilespmem:$0x14680] =	vst v63  }
0x113: {  	s25 =	simm.s32 $0x8680;
	s28 =	simm.s32 $0xC680;
	s18 =	sadd.s32 $0x50, s18  }
0x114: {  	[tilespmem:s29], [sflag:$0x5] =	stream.indirect_vreg.gather [hbm4b:s7+s3], $0x80, v3, vm0, $0xb8;
	[tilespmem:$0x14680] =	vst v63  }
0x115: {  	_ =	swait.ge [sflag:s0], $0x4000  }
0x116: {  	[sflag:s0] =	ssyncset.done $0x0  }
0x117: {  	s18 =	rddreg [dreg:$0x6];
	[sflag:s0] =	ssyncadd.s32 $0xFFFFC000  }
0x118: {  	[hbm4b:s18+s3] =	stream.linear.scatter [tilespmem:s23], [sflag:$0x6], $0x4000, $0x38;
	[tilespmem:$0x14680] =	vst v63  }
0x119: {  	_ =	swait.ge [sflag:s4], $0x4000  }
0x11a: {  	[sflag:s4] =	ssyncset.done $0x0  }
0x11b: {  	s26 =	rddreg [dreg:$0x7];
	[sflag:s4] =	ssyncadd.s32 $0xFFFFC000  }
0x11c: {  	[hbm4b:s26+s3] =	stream.linear.scatter [tilespmem:s1], [sflag:$0x7], $0x4000, $0x38;
	[tilespmem:$0x14680] =	vst v63  }
0x11d: {  	_ =	swait.ge [sflag:s8], $0x4000  }
0x11e: {  	[sflag:s8] =	ssyncset.done $0x0  }
0x11f: {  	s15 =	rddreg [dreg:$0x8];
	[sflag:s8] =	ssyncadd.s32 $0xFFFFC000  }
0x120: {  	[hbm4b:s15+s3] =	stream.linear.scatter [tilespmem:s25], [sflag:$0x8], $0x4000, $0x38;
	[tilespmem:$0x14680] =	vst v63  }
0x121: {  	_ =	swait.ge [sflag:s9], $0x4000  }
0x122: {  	[sflag:s9] =	ssyncset.done $0x0  }
0x123: {  	s19 =	rddreg [dreg:$0x9];
	[sflag:s9] =	ssyncadd.s32 $0xFFFFC000  }
0x124: {  	[hbm4b:s19+s3] =	stream.linear.scatter [tilespmem:s28], [sflag:$0x9], $0x4000, $0x38;
	[tilespmem:$0x14680] =	vst v63  }
0x125: {  	_ =	swait.ge [sflag:s10], $0x4000  }
0x126: {  	[sflag:s10] =	ssyncset.done $0x0  }
0x127: {  	s24 =	rddreg [dreg:$0xa];
	[sflag:s10] =	ssyncadd.s32 $0xFFFFC000  }
0x128: {  	[hbm4b:s24+s3] =	stream.linear.scatter [tilespmem:s22], [sflag:$0xA], $0x4000, $0x38;
	[tilespmem:$0x14680] =	vst v63  }
0x129: {  	_ =	swait.ge [sflag:s11], $0x4000  }
0x12a: {  	[sflag:s11] =	ssyncset.done $0x0  }
0x12b: {  	[sflag:s11] =	ssyncadd.s32 $0xFFFFC000  }
0x12c: {  	_ =	swait.ge [sflag:s12], $0x4000  }
0x12d: {  	[sflag:s12] =	ssyncset.done $0x0  }
0x12e: {  	[sflag:s12] =	ssyncadd.s32 $0xFFFFC000  }
0x12f: {  	_ =	swait.ge [sflag:s14], $0x4000  }
0x130: {  	[sflag:s14] =	ssyncset.done $0x0  }
0x131: {  	[sflag:s14] =	ssyncadd.s32 $0xFFFFC000  }
0x132: {  	_ =	swait.ge [sflag:s16], $0x4000  }
0x133: {  	[sflag:s16] =	ssyncset.done $0x0  }
0x134: {  	[sflag:s16] =	ssyncadd.s32 $0xFFFFC000  }
0x135: {  	_ =	swait.ge [sflag:s17], $0x4000  }
0x136: {  	s15 =	rddreg [dreg:$0xc]  }
0x137: {  	s26 =	rddreg [dreg:$0xb];
	s15 =	sadd.s32 $0x1, s15  }
0x138: {  	p0 =	sne.s32 s15, s26  }
.Ltmp1:
0x139: {  	_ = 	snop;
	(pc) =	sbr.rel @p0 .LBB2_1-.Ltmp1, $4  }
0x13a: {  	s30 =	simm.s32 $0x2E80  }
0x13b: {  	s31 =	simm.s32 $0x3E80;
	s29 =	simm.s32 $0x4E80;
	[sflag:s17] =	ssyncset.done $0x0  }
0x13c: {  	s19 =	simm.s32 $0x1E80;
	s24 =	simm.s32 $0x2680;
	[sflag:s17] =	ssyncadd.s32 $0xFFFFC000  }
0x13d: {  	[dreg:$0xc] =	wrdreg s15;
	s26 =	simm.s32 $0x3680;
	s15 =	simm.s32 $0x5E80  }
0x13e: {  	_ =	sfence.sel $0x180000  }
0x13f: {  	[bflag:$0x0] =	sbarrier.arrive $0xFFFF  }
0x140: {  	_ =	strace $0x90000047  }
0x141: {  	s0 =	stileid.u32;
	[bflag:$0x2] =	sbarrier.arrive $0xFFFF  }
0x142: {  	p0 =	sne.s32 s0, $0x0;
	s0 =	rddreg [dreg:$0x3]  }
0x143: {  	s0 =	sadd.s32 @!p0 $0x100000, s0  }
0x144: {  	[sflag:s0] =	ssyncadd.tile.s32 @!p0 $0x1;
	_ =	shalt  }
.Lfunc_end2:
_tile_overlayer_lowered:
.L_overlay_start_2:
0x145: {  	(tag) =	ssettag $0x2  }
0x146: {  	s0 =	rddreg [dreg:$0x0];
	s2 =	stileid.u32  }
0x147: {  	s1 =	rddreg [dreg:$0x1];
	p0 =	sne.s32 s2, $0x0  }
0x148: {  	s3 =	rddreg [dreg:$0x2];
	[bflag:$0x3] =	sbarrier.arrive $0xFFFF;
	s2 =	simm.s32 @!p0 $0x1C0B  }
0x149: {  	[timem:s3], [sflag:s2] =	dma.local @!p0 [hbm:s0], s1  }
0x14a: {  	s0 =	simm.s32 @!p0 $0xB  }
0x14b: {  	_ =	swait.ge @!p0 [sflag:s0], s1  }
0x14c: {  	s1 =	ssub.s32 @!p0 $0x0, s1;
	[sflag:s0] =	ssyncset.done @!p0 $0x0  }
0x14d: {  	[sflag:s0] =	ssyncadd.s32 @!p0 s1  }
0x14e: {  	[bflag:$0x3] =	sbarrier.arrive $0xFFFF  }
0x14f: {  	_ =	shalt  }

</sc_bundles>
